<compile_context>
chip_gen: v7x
topology: tpu7x:2x2x1
jax: 0.10.2.dev20260603
libtpu: 0.0.44.dev20260713+nightly
codegen_flags: <defaults>
</compile_context>

<pallas_src>
import jax
import jax.numpy as jnp
from jax import lax
from jax.experimental import pallas as pl
from jax.experimental.pallas import tpu as pltpu
from jax.experimental.pallas import tpu_sc as plsc

N = 10000
E = 320000
D = 128

NC = 2
NS = 16
NW = NC * NS
NP = 10240
RPS = NP // NS
K = 128
EWP = NP
CH = EWP // K
SECR = 8
SECS = CH // SECR
HW = 16


def _mesh():
    return plsc.VectorSubcoreMesh(
        core_axis_name="c", subcore_axis_name="s", num_cores=NC, num_subcores=NS
    )


def _worker_id():
    return lax.axis_index("s") * NC + lax.axis_index("c")


def _sc_degree(row3):
    return pl.kernel(
        _sc_degree_body,
        out_type=jax.ShapeDtypeStruct((NC, NP, HW), jnp.float32),
        mesh=_mesh(),
        scratch_types=[
            pltpu.VMEM((CH, K), jnp.int32),
            pltpu.VMEM((K, HW), jnp.float32),
            pltpu.VMEM_SHARED((NP, HW), jnp.float32),
        ],
    )(row3)


def _sc_degree_body(row_hbm, out_hbm, rowbuf, ones_b, degsh):
    cid = lax.axis_index("c")
    sid = lax.axis_index("s")
    wid = _worker_id()

    def _fill(val):
        def _f(i, _):
            ones_b[i, 0:HW] = jnp.full((HW,), val, jnp.float32)
            return 0
        lax.fori_loop(0, K, _f, 0)

    _fill(0.0)
    for t in range(RPS // K):
        pltpu.sync_copy(ones_b, degsh.at[pl.ds(sid * RPS + t * K, K)])
    _fill(1.0)
    plsc.subcore_barrier()

    pltpu.sync_copy(row_hbm.at[wid], rowbuf)

    def _chunk(c, _):
        pltpu.sync_copy(ones_b, degsh.at[rowbuf.at[c]], add=True)
        return 0

    lax.fori_loop(0, CH, _chunk, 0)
    plsc.subcore_barrier()
    pltpu.sync_copy(
        degsh.at[pl.ds(sid * RPS, RPS)], out_hbm.at[cid, pl.ds(sid * RPS, RPS)]
    )


def _sc_propagate(y, row3, col3):
    return pl.kernel(
        _sc_propagate_body,
        out_type=jax.ShapeDtypeStruct((NC, NP, D), jnp.float32),
        mesh=_mesh(),
        scratch_types=[
            pltpu.VMEM((CH, K), jnp.int32),
            pltpu.VMEM((CH, K), jnp.int32),
            pltpu.VMEM((K, D), jnp.float32),
            pltpu.VMEM_SHARED((NP, D), jnp.float32),
        ],
    )(y, row3, col3)


def _sc_propagate_body(y_hbm, row_hbm, col_hbm, out_hbm,
                       rowbuf, colbuf, ybuf, acc):
    cid = lax.axis_index("c")
    sid = lax.axis_index("s")
    wid = _worker_id()

    def _zfill(i, _):
        for j in range(D // 16):
            ybuf[i, pl.ds(16 * j, 16)] = jnp.zeros((16,), jnp.float32)
        return 0

    lax.fori_loop(0, K, _zfill, 0)
    for t in range(RPS // K):
        pltpu.sync_copy(ybuf, acc.at[pl.ds(sid * RPS + t * K, K)])
    plsc.subcore_barrier()

    pltpu.sync_copy(row_hbm.at[wid], rowbuf)
    pltpu.sync_copy(col_hbm.at[wid], colbuf)

    def _chunk(c, _):
        pltpu.sync_copy(y_hbm.at[rowbuf.at[c]], ybuf)
        pltpu.sync_copy(ybuf, acc.at[colbuf.at[c]], add=True)
        return 0

    lax.fori_loop(0, CH, _chunk, 0)

    plsc.subcore_barrier()
    pltpu.sync_copy(
        acc.at[pl.ds(sid * RPS, RPS)], out_hbm.at[cid, pl.ds(sid * RPS, RPS)]
    )


def _prep_body(hist_ref, x_ref, y_ref):
    deg = (jnp.sum(hist_ref[0], axis=-1) + jnp.sum(hist_ref[1], axis=-1)) * (
        1.0 / HW
    ) + 1.0
    dis = lax.rsqrt(deg)
    y_ref[...] = dis[:, None] * x_ref[...]


def _tc_prep(hist, x_pad, nb=NP):
    grid = NP // nb
    return pl.pallas_call(
        _prep_body,
        grid=(grid,),
        in_specs=[
            pl.BlockSpec((NC, nb, HW), lambda i: (0, i, 0)),
            pl.BlockSpec((nb, D), lambda i: (i, 0)),
        ],
        out_specs=pl.BlockSpec((nb, D), lambda i: (i, 0)),
        out_shape=jax.ShapeDtypeStruct((NP, D), jnp.float32),
    )(hist, x_pad)


def _gru_body(hist_ref, acc_ref, y_ref, x_ref, wih_ref, whh_ref,
              bih_ref, bhh_ref, out_ref):
    deg = (jnp.sum(hist_ref[0], axis=-1) + jnp.sum(hist_ref[1], axis=-1)) * (
        1.0 / HW
    ) + 1.0
    dis = lax.rsqrt(deg)
    h = dis[:, None] * (acc_ref[0] + acc_ref[1] + y_ref[...])
    x = x_ref[...]
    gi = jnp.dot(h, wih_ref[...], preferred_element_type=jnp.float32) + bih_ref[...]
    gh = jnp.dot(x, whh_ref[...], preferred_element_type=jnp.float32) + bhh_ref[...]
    r = jax.nn.sigmoid(gi[:, 0:D] + gh[:, 0:D])
    z = jax.nn.sigmoid(gi[:, D:2 * D] + gh[:, D:2 * D])
    n = jnp.tanh(gi[:, 2 * D:3 * D] + r * gh[:, 2 * D:3 * D])
    out_ref[...] = (1.0 - z) * n + z * x


def _tc_gru(hist, acc, y, x, wih_t, whh_t, b_ih, b_hh, nb=N):
    grid = N // nb
    return pl.pallas_call(
        _gru_body,
        grid=(grid,),
        in_specs=[
            pl.BlockSpec((NC, nb, HW), lambda i: (0, i, 0)),
            pl.BlockSpec((NC, nb, D), lambda i: (0, i, 0)),
            pl.BlockSpec((nb, D), lambda i: (i, 0)),
            pl.BlockSpec((nb, D), lambda i: (i, 0)),
            pl.BlockSpec((D, 3 * D), lambda i: (0, 0)),
            pl.BlockSpec((D, 3 * D), lambda i: (0, 0)),
            pl.BlockSpec((1, 3 * D), lambda i: (0, 0)),
            pl.BlockSpec((1, 3 * D), lambda i: (0, 0)),
        ],
        out_specs=pl.BlockSpec((nb, D), lambda i: (i, 0)),
        out_shape=jax.ShapeDtypeStruct((N, D), jnp.float32),
    )(hist, acc, y, x, wih_t, whh_t, b_ih, b_hh)


def kernel(x, edge_index, W_ih, W_hh, b_ih, b_hh):
    npad = EWP - E // NW
    w = jnp.arange(NW, dtype=jnp.int32)[:, None]
    j = jnp.arange(npad, dtype=jnp.int32)[None, :]
    fill_r = N + (w * 97 + j * 13) % (NP - N)
    fill_c = N + (w * 53 + j * 29) % (NP - N)
    row3 = jnp.concatenate(
        [edge_index[0].reshape(NW, E // NW), fill_r], axis=1
    ).reshape(NW, CH, K)
    col3 = jnp.concatenate(
        [edge_index[1].reshape(NW, E // NW), fill_c], axis=1
    ).reshape(NW, CH, K)
    x_pad = jnp.concatenate([x, jnp.zeros((NP - N, D), x.dtype)], axis=0)

    hist = _sc_degree(row3)
    y = _tc_prep(hist, x_pad)
    acc = _sc_propagate(y, row3, col3)
    return _tc_gru(hist, acc, y, x, W_ih.T, W_hh.T,
                   b_ih.reshape(1, 3 * D), b_hh.reshape(1, 3 * D))

# --- scband reference (transcript-rebuilt; emitter-appended) ---
"""Pipeline reference for scband-encoder-block-84825604096112 (READ-ONLY COPY).

The authoritative reference and input builder live on the scoring server;
editing this copy changes nothing except your own understanding.
"""

import jax, jax.numpy as jnp
import numpy as np

N = 10000
E = 320000
D = 128


def setup_inputs(seed: int = 0) -> dict:
    key = jax.random.key(seed)
    k1, k2, k3, k4, k5, k6 = jax.random.split(key, 6)
    x = jax.random.normal(k1, (N, D), dtype=jnp.float32)
    edge_index = jax.random.randint(k2, (2, E), 0, N, dtype=jnp.int32)
    scale = 1.0 / np.sqrt(D)
    W_ih = jax.random.uniform(k3, (3 * D, D), dtype=jnp.float32, minval=-scale, maxval=scale)
    W_hh = jax.random.uniform(k4, (3 * D, D), dtype=jnp.float32, minval=-scale, maxval=scale)
    b_ih = jax.random.uniform(k5, (3 * D,), dtype=jnp.float32, minval=-scale, maxval=scale)
    b_hh = jax.random.uniform(k6, (3 * D,), dtype=jnp.float32, minval=-scale, maxval=scale)
    return {"x": x, "edge_index": edge_index, "W_ih": W_ih, "W_hh": W_hh, "b_ih": b_ih, "b_hh": b_hh}


def _gcn(x, edge_index):
    n_nodes = x.shape[0]
    loops = jnp.arange(n_nodes, dtype=edge_index.dtype)
    ei = jnp.concatenate([edge_index, jnp.stack([loops, loops])], axis=1)
    row, col = ei[0], ei[1]
    deg = jnp.zeros((n_nodes,), dtype=x.dtype).at[row].add(1.0)
    deg_inv_sqrt = deg ** -0.5
    norm = deg_inv_sqrt[row] * deg_inv_sqrt[col]
    msgs = norm[:, None] * x[row]
    out = jnp.zeros_like(x).at[col].add(msgs)
    return out


def _gru_step(inp, h, W_ih, W_hh, b_ih, b_hh):
    gi = inp @ W_ih.T + b_ih
    gh = h @ W_hh.T + b_hh
    i_r, i_z, i_n = jnp.split(gi, 3, axis=1)
    h_r, h_z, h_n = jnp.split(gh, 3, axis=1)
    r = jax.nn.sigmoid(i_r + h_r)
    z = jax.nn.sigmoid(i_z + h_z)
    n = jnp.tanh(i_n + r * h_n)
    return (1.0 - z) * n + z * h


def reference(x, edge_index, W_ih, W_hh, b_ih, b_hh):
    h_n = _gcn(x, edge_index)
    # GRU with seq_len=1: input = h_n (GCN output), initial hidden = x; return output[0]
    h_v = _gru_step(h_n, x, W_ih, W_hh, b_ih, b_hh)
    return h_v

if __name__ == "__main__":
    import jax
    _d = setup_inputs()
    print(jax.jit(kernel)(*tuple(_d.values())))

</pallas_src>

<mosaic_0001>
#map = affine_map<(d0, d1) -> (0, 0)>
#map1 = affine_map<(d0, d1) -> (0, 0, 0)>
module attributes {stable_mosaic.version = 14 : i64} {
  func.func @_sc_propagate_body(%arg0: i32, %arg1: i32, %arg2: memref<10240x128xf32, #tpu.memory_space<hbm>>, %arg3: memref<32x80x128xi32, #tpu.memory_space<hbm>>, %arg4: memref<32x80x128xi32, #tpu.memory_space<hbm>>, %arg5: memref<2x10240x128xf32, #tpu.memory_space<hbm>>, %arg6: memref<80x128xi32, #tpu.memory_space<vmem>>, %arg7: memref<80x128xi32, #tpu.memory_space<vmem>>, %arg8: memref<128x128xf32, #tpu.memory_space<vmem>>, %arg9: memref<10240x128xf32, #tpu.memory_space<vmem_shared>>) attributes {dimension_semantics = [#tpu.dimension_semantics<core_parallel>, #tpu.dimension_semantics<subcore_parallel>], iteration_bounds = array<i64: 2, 16>, scalar_prefetch = 0 : i64, scratch_operands = 4 : i64, tpu.core_type = #tpu.core_type<sc_vector_subcore>, window_params = [{transform_indices = #map}, {transform_indices = #map1}, {transform_indices = #map1}, {transform_indices = #map1}]} {
    %mul3A = arith.constant 2 : i32
    %mul3A_0 = arith.muli %arg1, %mul3A : i32
    %add3A = arith.addi %mul3A_0, %arg0 : i32
    %scan3A = arith.constant 0 : i32
    %scan3A_1 = arith.constant 0 : i32
    %scan3A_2 = arith.constant 128 : i32
    %scan3A_3 = arith.addi %scan3A_1, %scan3A_2 : i32
    %scan3A_4 = arith.constant 1 : i32
    %scan3A_5 = scf.for %scan3A_39 = %scan3A_1 to %scan3A_3 step %scan3A_4 iter_args(%scan3A_40 = %scan3A) -> (i32)  : i32 {
      %broadcast_in_dim3A = arith.constant 0.000000e+00 : f32
      %broadcast_in_dim3A_41 = vector.broadcast %broadcast_in_dim3A : f32 to vector<16xf32>
      %swap3A = arith.index_cast %scan3A_39 : i32 to index
      %swap3A_42 = arith.constant 0 : index
      %swap3A_43 = tpu.vector_load %arg8[%swap3A, %swap3A_42] {strides = array<i32>} : memref<128x128xf32, #tpu.memory_space<vmem>>, vector<1x16xf32>,
      %swap3A_44 = vector.shape_cast %swap3A_43 : vector<1x16xf32> to vector<16xf32>
      %swap3A_45 = vector.shape_cast %broadcast_in_dim3A_41 : vector<16xf32> to vector<1x16xf32>
      tpu.vector_store %arg8[%swap3A, %swap3A_42], %swap3A_45 {strides = array<i32>} : memref<128x128xf32, #tpu.memory_space<vmem>>, vector<1x16xf32>,
      %broadcast_in_dim3A_46 = arith.constant 0.000000e+00 : f32
      %broadcast_in_dim3A_47 = vector.broadcast %broadcast_in_dim3A_46 : f32 to vector<16xf32>
      %swap3A_48 = arith.index_cast %scan3A_39 : i32 to index
      %swap3A_49 = arith.constant 16 : index
      %swap3A_50 = tpu.vector_load %arg8[%swap3A_48, %swap3A_49] {strides = array<i32>} : memref<128x128xf32, #tpu.memory_space<vmem>>, vector<1x16xf32>,
      %swap3A_51 = vector.shape_cast %swap3A_50 : vector<1x16xf32> to vector<16xf32>
      %swap3A_52 = vector.shape_cast %broadcast_in_dim3A_47 : vector<16xf32> to vector<1x16xf32>
      tpu.vector_store %arg8[%swap3A_48, %swap3A_49], %swap3A_52 {strides = array<i32>} : memref<128x128xf32, #tpu.memory_space<vmem>>, vector<1x16xf32>,
      %broadcast_in_dim3A_53 = arith.constant 0.000000e+00 : f32
      %broadcast_in_dim3A_54 = vector.broadcast %broadcast_in_dim3A_53 : f32 to vector<16xf32>
      %swap3A_55 = arith.index_cast %scan3A_39 : i32 to index
      %swap3A_56 = arith.constant 32 : index
      %swap3A_57 = tpu.vector_load %arg8[%swap3A_55, %swap3A_56] {strides = array<i32>} : memref<128x128xf32, #tpu.memory_space<vmem>>, vector<1x16xf32>,
      %swap3A_58 = vector.shape_cast %swap3A_57 : vector<1x16xf32> to vector<16xf32>
      %swap3A_59 = vector.shape_cast %broadcast_in_dim3A_54 : vector<16xf32> to vector<1x16xf32>
      tpu.vector_store %arg8[%swap3A_55, %swap3A_56], %swap3A_59 {strides = array<i32>} : memref<128x128xf32, #tpu.memory_space<vmem>>, vector<1x16xf32>,
      %broadcast_in_dim3A_60 = arith.constant 0.000000e+00 : f32
      %broadcast_in_dim3A_61 = vector.broadcast %broadcast_in_dim3A_60 : f32 to vector<16xf32>
      %swap3A_62 = arith.index_cast %scan3A_39 : i32 to index
      %swap3A_63 = arith.constant 48 : index
      %swap3A_64 = tpu.vector_load %arg8[%swap3A_62, %swap3A_63] {strides = array<i32>} : memref<128x128xf32, #tpu.memory_space<vmem>>, vector<1x16xf32>,
      %swap3A_65 = vector.shape_cast %swap3A_64 : vector<1x16xf32> to vector<16xf32>
      %swap3A_66 = vector.shape_cast %broadcast_in_dim3A_61 : vector<16xf32> to vector<1x16xf32>
      tpu.vector_store %arg8[%swap3A_62, %swap3A_63], %swap3A_66 {strides = array<i32>} : memref<128x128xf32, #tpu.memory_space<vmem>>, vector<1x16xf32>,
      %broadcast_in_dim3A_67 = arith.constant 0.000000e+00 : f32
      %broadcast_in_dim3A_68 = vector.broadcast %broadcast_in_dim3A_67 : f32 to vector<16xf32>
      %swap3A_69 = arith.index_cast %scan3A_39 : i32 to index
      %swap3A_70 = arith.constant 64 : index
      %swap3A_71 = tpu.vector_load %arg8[%swap3A_69, %swap3A_70] {strides = array<i32>} : memref<128x128xf32, #tpu.memory_space<vmem>>, vector<1x16xf32>,
      %swap3A_72 = vector.shape_cast %swap3A_71 : vector<1x16xf32> to vector<16xf32>
      %swap3A_73 = vector.shape_cast %broadcast_in_dim3A_68 : vector<16xf32> to vector<1x16xf32>
      tpu.vector_store %arg8[%swap3A_69, %swap3A_70], %swap3A_73 {strides = array<i32>} : memref<128x128xf32, #tpu.memory_space<vmem>>, vector<1x16xf32>,
      %broadcast_in_dim3A_74 = arith.constant 0.000000e+00 : f32
      %broadcast_in_dim3A_75 = vector.broadcast %broadcast_in_dim3A_74 : f32 to vector<16xf32>
      %swap3A_76 = arith.index_cast %scan3A_39 : i32 to index
      %swap3A_77 = arith.constant 80 : index
      %swap3A_78 = tpu.vector_load %arg8[%swap3A_76, %swap3A_77] {strides = array<i32>} : memref<128x128xf32, #tpu.memory_space<vmem>>, vector<1x16xf32>,
      %swap3A_79 = vector.shape_cast %swap3A_78 : vector<1x16xf32> to vector<16xf32>
      %swap3A_80 = vector.shape_cast %broadcast_in_dim3A_75 : vector<16xf32> to vector<1x16xf32>
      tpu.vector_store %arg8[%swap3A_76, %swap3A_77], %swap3A_80 {strides = array<i32>} : memref<128x128xf32, #tpu.memory_space<vmem>>, vector<1x16xf32>,
      %broadcast_in_dim3A_81 = arith.constant 0.000000e+00 : f32
      %broadcast_in_dim3A_82 = vector.broadcast %broadcast_in_dim3A_81 : f32 to vector<16xf32>
      %swap3A_83 = arith.index_cast %scan3A_39 : i32 to index
      %swap3A_84 = arith.constant 96 : index
      %swap3A_85 = tpu.vector_load %arg8[%swap3A_83, %swap3A_84] {strides = array<i32>} : memref<128x128xf32, #tpu.memory_space<vmem>>, vector<1x16xf32>,
      %swap3A_86 = vector.shape_cast %swap3A_85 : vector<1x16xf32> to vector<16xf32>
      %swap3A_87 = vector.shape_cast %broadcast_in_dim3A_82 : vector<16xf32> to vector<1x16xf32>
      tpu.vector_store %arg8[%swap3A_83, %swap3A_84], %swap3A_87 {strides = array<i32>} : memref<128x128xf32, #tpu.memory_space<vmem>>, vector<1x16xf32>,
      %broadcast_in_dim3A_88 = arith.constant 0.000000e+00 : f32
      %broadcast_in_dim3A_89 = vector.broadcast %broadcast_in_dim3A_88 : f32 to vector<16xf32>
      %swap3A_90 = arith.index_cast %scan3A_39 : i32 to index
      %swap3A_91 = arith.constant 112 : index
      %swap3A_92 = tpu.vector_load %arg8[%swap3A_90, %swap3A_91] {strides = array<i32>} : memref<128x128xf32, #tpu.memory_space<vmem>>, vector<1x16xf32>,
      %swap3A_93 = vector.shape_cast %swap3A_92 : vector<1x16xf32> to vector<16xf32>
      %swap3A_94 = vector.shape_cast %broadcast_in_dim3A_89 : vector<16xf32> to vector<1x16xf32>
      tpu.vector_store %arg8[%swap3A_90, %swap3A_91], %swap3A_94 {strides = array<i32>} : memref<128x128xf32, #tpu.memory_space<vmem>>, vector<1x16xf32>,
      %scan3A_95 = arith.constant 0 : i32
      scf.yield %scan3A_95 : i32
    }
    %scan3A_6 = arith.constant 128 : i32
    %mul3A_7 = arith.constant 640 : i32
    %mul3A_8 = arith.muli %arg1, %mul3A_7 : i32
    %add3A_9 = arith.constant 0 : i32
    %add3A_10 = arith.addi %mul3A_8, %add3A_9 : i32
    "tpu.region"() ({
      %run_scoped3A = tpu.sem_alloc : memref<!tpu.dma_semaphore, #tpu.memory_space<semaphore_mem>>
      %dma_start3A = arith.constant 0 : i32
      %dma_start3A_39 = tpu.memref_slice %arg9[%add3A_10, %dma_start3A] : memref<10240x128xf32, #tpu.memory_space<vmem_shared>> -> memref<128x128xf32, #tpu.memory_space<vmem_shared>>
      %dma_start3A_40 = arith.constant 0 : i32
      %dma_start3A_41 = tpu.memref_slice %arg9[%add3A_10, %dma_start3A_40] : memref<10240x128xf32, #tpu.memory_space<vmem_shared>> -> memref<128x128xf32, #tpu.memory_space<vmem_shared>>
      tpu.enqueue_dma source(%arg8 : memref<128x128xf32, #tpu.memory_space<vmem>>) target(%dma_start3A_41 : memref<128x128xf32, #tpu.memory_space<vmem_shared>>) target_semaphore(%run_scoped3A : memref<!tpu.dma_semaphore, #tpu.memory_space<semaphore_mem>>)
      %dma_wait3A = arith.constant 0 : i32
      %dma_wait3A_42 = tpu.memref_slice %arg9[%add3A_10, %dma_wait3A] : memref<10240x128xf32, #tpu.memory_space<vmem_shared>> -> memref<128x128xf32, #tpu.memory_space<vmem_shared>>
      %dma_wait3A_43 = arith.constant 0 : i32
      %dma_wait3A_44 = tpu.memref_slice %arg9[%add3A_10, %dma_wait3A_43] : memref<10240x128xf32, #tpu.memory_space<vmem_shared>> -> memref<128x128xf32, #tpu.memory_space<vmem_shared>>
      tpu.wait_dma2 semaphore(%run_scoped3A : memref<!tpu.dma_semaphore, #tpu.memory_space<semaphore_mem>>) src(%arg8 : memref<128x128xf32, #tpu.memory_space<vmem>>) dst(%dma_wait3A_44 : memref<128x128xf32, #tpu.memory_space<vmem_shared>>)
      tpu.yield
    }) : () -> ()
    %mul3A_11 = arith.constant 640 : i32
    %mul3A_12 = arith.muli %arg1, %mul3A_11 : i32
    %add3A_13 = arith.constant 128 : i32
    %add3A_14 = arith.addi %mul3A_12, %add3A_13 : i32
    "tpu.region"() ({
      %run_scoped3A = tpu.sem_alloc : memref<!tpu.dma_semaphore, #tpu.memory_space<semaphore_mem>>
      %dma_start3A = arith.constant 0 : i32
      %dma_start3A_39 = tpu.memref_slice %arg9[%add3A_14, %dma_start3A] : memref<10240x128xf32, #tpu.memory_space<vmem_shared>> -> memref<128x128xf32, #tpu.memory_space<vmem_shared>>
      %dma_start3A_40 = arith.constant 0 : i32
      %dma_start3A_41 = tpu.memref_slice %arg9[%add3A_14, %dma_start3A_40] : memref<10240x128xf32, #tpu.memory_space<vmem_shared>> -> memref<128x128xf32, #tpu.memory_space<vmem_shared>>
      tpu.enqueue_dma source(%arg8 : memref<128x128xf32, #tpu.memory_space<vmem>>) target(%dma_start3A_41 : memref<128x128xf32, #tpu.memory_space<vmem_shared>>) target_semaphore(%run_scoped3A : memref<!tpu.dma_semaphore, #tpu.memory_space<semaphore_mem>>)
      %dma_wait3A = arith.constant 0 : i32
      %dma_wait3A_42 = tpu.memref_slice %arg9[%add3A_14, %dma_wait3A] : memref<10240x128xf32, #tpu.memory_space<vmem_shared>> -> memref<128x128xf32, #tpu.memory_space<vmem_shared>>
      %dma_wait3A_43 = arith.constant 0 : i32
      %dma_wait3A_44 = tpu.memref_slice %arg9[%add3A_14, %dma_wait3A_43] : memref<10240x128xf32, #tpu.memory_space<vmem_shared>> -> memref<128x128xf32, #tpu.memory_space<vmem_shared>>
      tpu.wait_dma2 semaphore(%run_scoped3A : memref<!tpu.dma_semaphore, #tpu.memory_space<semaphore_mem>>) src(%arg8 : memref<128x128xf32, #tpu.memory_space<vmem>>) dst(%dma_wait3A_44 : memref<128x128xf32, #tpu.memory_space<vmem_shared>>)
      tpu.yield
    }) : () -> ()
    %mul3A_15 = arith.constant 640 : i32
    %mul3A_16 = arith.muli %arg1, %mul3A_15 : i32
    %add3A_17 = arith.constant 256 : i32
    %add3A_18 = arith.addi %mul3A_16, %add3A_17 : i32
    "tpu.region"() ({
      %run_scoped3A = tpu.sem_alloc : memref<!tpu.dma_semaphore, #tpu.memory_space<semaphore_mem>>
      %dma_start3A = arith.constant 0 : i32
      %dma_start3A_39 = tpu.memref_slice %arg9[%add3A_18, %dma_start3A] : memref<10240x128xf32, #tpu.memory_space<vmem_shared>> -> memref<128x128xf32, #tpu.memory_space<vmem_shared>>
      %dma_start3A_40 = arith.constant 0 : i32
      %dma_start3A_41 = tpu.memref_slice %arg9[%add3A_18, %dma_start3A_40] : memref<10240x128xf32, #tpu.memory_space<vmem_shared>> -> memref<128x128xf32, #tpu.memory_space<vmem_shared>>
      tpu.enqueue_dma source(%arg8 : memref<128x128xf32, #tpu.memory_space<vmem>>) target(%dma_start3A_41 : memref<128x128xf32, #tpu.memory_space<vmem_shared>>) target_semaphore(%run_scoped3A : memref<!tpu.dma_semaphore, #tpu.memory_space<semaphore_mem>>)
      %dma_wait3A = arith.constant 0 : i32
      %dma_wait3A_42 = tpu.memref_slice %arg9[%add3A_18, %dma_wait3A] : memref<10240x128xf32, #tpu.memory_space<vmem_shared>> -> memref<128x128xf32, #tpu.memory_space<vmem_shared>>
      %dma_wait3A_43 = arith.constant 0 : i32
      %dma_wait3A_44 = tpu.memref_slice %arg9[%add3A_18, %dma_wait3A_43] : memref<10240x128xf32, #tpu.memory_space<vmem_shared>> -> memref<128x128xf32, #tpu.memory_space<vmem_shared>>
      tpu.wait_dma2 semaphore(%run_scoped3A : memref<!tpu.dma_semaphore, #tpu.memory_space<semaphore_mem>>) src(%arg8 : memref<128x128xf32, #tpu.memory_space<vmem>>) dst(%dma_wait3A_44 : memref<128x128xf32, #tpu.memory_space<vmem_shared>>)
      tpu.yield
    }) : () -> ()
    %mul3A_19 = arith.constant 640 : i32
    %mul3A_20 = arith.muli %arg1, %mul3A_19 : i32
    %add3A_21 = arith.constant 384 : i32
    %add3A_22 = arith.addi %mul3A_20, %add3A_21 : i32
    "tpu.region"() ({
      %run_scoped3A = tpu.sem_alloc : memref<!tpu.dma_semaphore, #tpu.memory_space<semaphore_mem>>
      %dma_start3A = arith.constant 0 : i32
      %dma_start3A_39 = tpu.memref_slice %arg9[%add3A_22, %dma_start3A] : memref<10240x128xf32, #tpu.memory_space<vmem_shared>> -> memref<128x128xf32, #tpu.memory_space<vmem_shared>>
      %dma_start3A_40 = arith.constant 0 : i32
      %dma_start3A_41 = tpu.memref_slice %arg9[%add3A_22, %dma_start3A_40] : memref<10240x128xf32, #tpu.memory_space<vmem_shared>> -> memref<128x128xf32, #tpu.memory_space<vmem_shared>>
      tpu.enqueue_dma source(%arg8 : memref<128x128xf32, #tpu.memory_space<vmem>>) target(%dma_start3A_41 : memref<128x128xf32, #tpu.memory_space<vmem_shared>>) target_semaphore(%run_scoped3A : memref<!tpu.dma_semaphore, #tpu.memory_space<semaphore_mem>>)
      %dma_wait3A = arith.constant 0 : i32
      %dma_wait3A_42 = tpu.memref_slice %arg9[%add3A_22, %dma_wait3A] : memref<10240x128xf32, #tpu.memory_space<vmem_shared>> -> memref<128x128xf32, #tpu.memory_space<vmem_shared>>
      %dma_wait3A_43 = arith.constant 0 : i32
      %dma_wait3A_44 = tpu.memref_slice %arg9[%add3A_22, %dma_wait3A_43] : memref<10240x128xf32, #tpu.memory_space<vmem_shared>> -> memref<128x128xf32, #tpu.memory_space<vmem_shared>>
      tpu.wait_dma2 semaphore(%run_scoped3A : memref<!tpu.dma_semaphore, #tpu.memory_space<semaphore_mem>>) src(%arg8 : memref<128x128xf32, #tpu.memory_space<vmem>>) dst(%dma_wait3A_44 : memref<128x128xf32, #tpu.memory_space<vmem_shared>>)
      tpu.yield
    }) : () -> ()
    %mul3A_23 = arith.constant 640 : i32
    %mul3A_24 = arith.muli %arg1, %mul3A_23 : i32
    %add3A_25 = arith.constant 512 : i32
    %add3A_26 = arith.addi %mul3A_24, %add3A_25 : i32
    "tpu.region"() ({
      %run_scoped3A = tpu.sem_alloc : memref<!tpu.dma_semaphore, #tpu.memory_space<semaphore_mem>>
      %dma_start3A = arith.constant 0 : i32
      %dma_start3A_39 = tpu.memref_slice %arg9[%add3A_26, %dma_start3A] : memref<10240x128xf32, #tpu.memory_space<vmem_shared>> -> memref<128x128xf32, #tpu.memory_space<vmem_shared>>
      %dma_start3A_40 = arith.constant 0 : i32
      %dma_start3A_41 = tpu.memref_slice %arg9[%add3A_26, %dma_start3A_40] : memref<10240x128xf32, #tpu.memory_space<vmem_shared>> -> memref<128x128xf32, #tpu.memory_space<vmem_shared>>
      tpu.enqueue_dma source(%arg8 : memref<128x128xf32, #tpu.memory_space<vmem>>) target(%dma_start3A_41 : memref<128x128xf32, #tpu.memory_space<vmem_shared>>) target_semaphore(%run_scoped3A : memref<!tpu.dma_semaphore, #tpu.memory_space<semaphore_mem>>)
      %dma_wait3A = arith.constant 0 : i32
      %dma_wait3A_42 = tpu.memref_slice %arg9[%add3A_26, %dma_wait3A] : memref<10240x128xf32, #tpu.memory_space<vmem_shared>> -> memref<128x128xf32, #tpu.memory_space<vmem_shared>>
      %dma_wait3A_43 = arith.constant 0 : i32
      %dma_wait3A_44 = tpu.memref_slice %arg9[%add3A_26, %dma_wait3A_43] : memref<10240x128xf32, #tpu.memory_space<vmem_shared>> -> memref<128x128xf32, #tpu.memory_space<vmem_shared>>
      tpu.wait_dma2 semaphore(%run_scoped3A : memref<!tpu.dma_semaphore, #tpu.memory_space<semaphore_mem>>) src(%arg8 : memref<128x128xf32, #tpu.memory_space<vmem>>) dst(%dma_wait3A_44 : memref<128x128xf32, #tpu.memory_space<vmem_shared>>)
      tpu.yield
    }) : () -> ()
    %barrier3A = arith.constant 0 : index
    tpu.barrier barrier_id(%barrier3A)
    "tpu.region"() ({
      %run_scoped3A = tpu.sem_alloc : memref<!tpu.dma_semaphore, #tpu.memory_space<semaphore_mem>>
      %dma_start3A = arith.constant 0 : i32
      %dma_start3A_39 = arith.constant 0 : i32
      %dma_start3A_40 = tpu.memref_slice %arg3[%add3A, %dma_start3A, %dma_start3A_39] : memref<32x80x128xi32, #tpu.memory_space<hbm>> -> memref<1x80x128xi32, #tpu.memory_space<hbm>>
      %dma_start3A_41 = tpu.memref_squeeze %dma_start3A_40 : memref<1x80x128xi32, #tpu.memory_space<hbm>> -> memref<80x128xi32, #tpu.memory_space<hbm>>
      %dma_start3A_42 = arith.constant 0 : i32
      %dma_start3A_43 = arith.constant 0 : i32
      %dma_start3A_44 = tpu.memref_slice %arg3[%add3A, %dma_start3A_42, %dma_start3A_43] : memref<32x80x128xi32, #tpu.memory_space<hbm>> -> memref<1x80x128xi32, #tpu.memory_space<hbm>>
      %dma_start3A_45 = tpu.memref_squeeze %dma_start3A_44 : memref<1x80x128xi32, #tpu.memory_space<hbm>> -> memref<80x128xi32, #tpu.memory_space<hbm>>
      tpu.enqueue_dma source(%dma_start3A_45 : memref<80x128xi32, #tpu.memory_space<hbm>>) target(%arg6 : memref<80x128xi32, #tpu.memory_space<vmem>>) target_semaphore(%run_scoped3A : memref<!tpu.dma_semaphore, #tpu.memory_space<semaphore_mem>>)
      %dma_wait3A = arith.constant 0 : i32
      %dma_wait3A_46 = arith.constant 0 : i32
      %dma_wait3A_47 = tpu.memref_slice %arg3[%add3A, %dma_wait3A, %dma_wait3A_46] : memref<32x80x128xi32, #tpu.memory_space<hbm>> -> memref<1x80x128xi32, #tpu.memory_space<hbm>>
      %dma_wait3A_48 = tpu.memref_squeeze %dma_wait3A_47 : memref<1x80x128xi32, #tpu.memory_space<hbm>> -> memref<80x128xi32, #tpu.memory_space<hbm>>
      %dma_wait3A_49 = arith.constant 0 : i32
      %dma_wait3A_50 = arith.constant 0 : i32
      %dma_wait3A_51 = tpu.memref_slice %arg3[%add3A, %dma_wait3A_49, %dma_wait3A_50] : memref<32x80x128xi32, #tpu.memory_space<hbm>> -> memref<1x80x128xi32, #tpu.memory_space<hbm>>
      %dma_wait3A_52 = tpu.memref_squeeze %dma_wait3A_51 : memref<1x80x128xi32, #tpu.memory_space<hbm>> -> memref<80x128xi32, #tpu.memory_space<hbm>>
      tpu.wait_dma2 semaphore(%run_scoped3A : memref<!tpu.dma_semaphore, #tpu.memory_space<semaphore_mem>>) src(%dma_wait3A_52 : memref<80x128xi32, #tpu.memory_space<hbm>>) dst(%arg6 : memref<80x128xi32, #tpu.memory_space<vmem>>)
      tpu.yield
    }) : () -> ()
    "tpu.region"() ({
      %run_scoped3A = tpu.sem_alloc : memref<!tpu.dma_semaphore, #tpu.memory_space<semaphore_mem>>
      %dma_start3A = arith.constant 0 : i32
      %dma_start3A_39 = arith.constant 0 : i32
      %dma_start3A_40 = tpu.memref_slice %arg4[%add3A, %dma_start3A, %dma_start3A_39] : memref<32x80x128xi32, #tpu.memory_space<hbm>> -> memref<1x80x128xi32, #tpu.memory_space<hbm>>
      %dma_start3A_41 = tpu.memref_squeeze %dma_start3A_40 : memref<1x80x128xi32, #tpu.memory_space<hbm>> -> memref<80x128xi32, #tpu.memory_space<hbm>>
      %dma_start3A_42 = arith.constant 0 : i32
      %dma_start3A_43 = arith.constant 0 : i32
      %dma_start3A_44 = tpu.memref_slice %arg4[%add3A, %dma_start3A_42, %dma_start3A_43] : memref<32x80x128xi32, #tpu.memory_space<hbm>> -> memref<1x80x128xi32, #tpu.memory_space<hbm>>
      %dma_start3A_45 = tpu.memref_squeeze %dma_start3A_44 : memref<1x80x128xi32, #tpu.memory_space<hbm>> -> memref<80x128xi32, #tpu.memory_space<hbm>>
      tpu.enqueue_dma source(%dma_start3A_45 : memref<80x128xi32, #tpu.memory_space<hbm>>) target(%arg7 : memref<80x128xi32, #tpu.memory_space<vmem>>) target_semaphore(%run_scoped3A : memref<!tpu.dma_semaphore, #tpu.memory_space<semaphore_mem>>)
      %dma_wait3A = arith.constant 0 : i32
      %dma_wait3A_46 = arith.constant 0 : i32
      %dma_wait3A_47 = tpu.memref_slice %arg4[%add3A, %dma_wait3A, %dma_wait3A_46] : memref<32x80x128xi32, #tpu.memory_space<hbm>> -> memref<1x80x128xi32, #tpu.memory_space<hbm>>
      %dma_wait3A_48 = tpu.memref_squeeze %dma_wait3A_47 : memref<1x80x128xi32, #tpu.memory_space<hbm>> -> memref<80x128xi32, #tpu.memory_space<hbm>>
      %dma_wait3A_49 = arith.constant 0 : i32
      %dma_wait3A_50 = arith.constant 0 : i32
      %dma_wait3A_51 = tpu.memref_slice %arg4[%add3A, %dma_wait3A_49, %dma_wait3A_50] : memref<32x80x128xi32, #tpu.memory_space<hbm>> -> memref<1x80x128xi32, #tpu.memory_space<hbm>>
      %dma_wait3A_52 = tpu.memref_squeeze %dma_wait3A_51 : memref<1x80x128xi32, #tpu.memory_space<hbm>> -> memref<80x128xi32, #tpu.memory_space<hbm>>
      tpu.wait_dma2 semaphore(%run_scoped3A : memref<!tpu.dma_semaphore, #tpu.memory_space<semaphore_mem>>) src(%dma_wait3A_52 : memref<80x128xi32, #tpu.memory_space<hbm>>) dst(%arg7 : memref<80x128xi32, #tpu.memory_space<vmem>>)
      tpu.yield
    }) : () -> ()
    %scan3A_27 = arith.constant 0 : i32
    %scan3A_28 = arith.constant 0 : i32
    %scan3A_29 = arith.constant 80 : i32
    %scan3A_30 = arith.addi %scan3A_28, %scan3A_29 : i32
    %scan3A_31 = arith.constant 1 : i32
    %scan3A_32 = scf.for %scan3A_39 = %scan3A_28 to %scan3A_30 step %scan3A_31 iter_args(%scan3A_40 = %scan3A_27) -> (i32)  : i32 {
      "tpu.region"() ({
        %run_scoped3A = tpu.sem_alloc : memref<!tpu.dma_semaphore, #tpu.memory_space<semaphore_mem>>
        %dma_start3A = arith.constant 0 : i32
        %dma_start3A_42 = tpu.memref_slice %arg6[%scan3A_39, %dma_start3A] : memref<80x128xi32, #tpu.memory_space<vmem>> -> memref<1x128xi32, #tpu.memory_space<vmem>>
        %dma_start3A_43 = tpu.memref_squeeze %dma_start3A_42 : memref<1x128xi32, #tpu.memory_space<vmem>> -> memref<128xi32, #tpu.memory_space<vmem>>
        %dma_start3A_44 = arith.constant 0 : i32
        %dma_start3A_45 = arith.constant 0 : i32
        %dma_start3A_46 = tpu.memref_slice %arg2[%dma_start3A_44, %dma_start3A_45] : memref<10240x128xf32, #tpu.memory_space<hbm>> -> memref<10240x128xf32, #tpu.memory_space<hbm>>
        tpu.enqueue_indirect_dma source(%dma_start3A_46 : memref<10240x128xf32, #tpu.memory_space<hbm>>) target(%arg8 : memref<128x128xf32, #tpu.memory_space<vmem>>) offsets(%dma_start3A_43 : memref<128xi32, #tpu.memory_space<vmem>>) semaphore(%run_scoped3A : memref<!tpu.dma_semaphore, #tpu.memory_space<semaphore_mem>>)
        %dma_wait3A = arith.constant 0 : i32
        %dma_wait3A_47 = tpu.memref_slice %arg6[%scan3A_39, %dma_wait3A] : memref<80x128xi32, #tpu.memory_space<vmem>> -> memref<1x128xi32, #tpu.memory_space<vmem>>
        %dma_wait3A_48 = tpu.memref_squeeze %dma_wait3A_47 : memref<1x128xi32, #tpu.memory_space<vmem>> -> memref<128xi32, #tpu.memory_space<vmem>>
        %dma_wait3A_49 = arith.constant 0 : i32
        %dma_wait3A_50 = arith.constant 0 : i32
        %dma_wait3A_51 = tpu.memref_slice %arg2[%dma_wait3A_49, %dma_wait3A_50] : memref<10240x128xf32, #tpu.memory_space<hbm>> -> memref<10240x128xf32, #tpu.memory_space<hbm>>
        tpu.wait_indirect_dma semaphore(%run_scoped3A : memref<!tpu.dma_semaphore, #tpu.memory_space<semaphore_mem>>) src(%dma_wait3A_51 : memref<10240x128xf32, #tpu.memory_space<hbm>>) dst(%arg8 : memref<128x128xf32, #tpu.memory_space<vmem>>)
        tpu.yield
      }) : () -> ()
      "tpu.region"() ({
        %run_scoped3A = tpu.sem_alloc : memref<!tpu.dma_semaphore, #tpu.memory_space<semaphore_mem>>
        %dma_start3A = arith.constant 0 : i32
        %dma_start3A_42 = tpu.memref_slice %arg7[%scan3A_39, %dma_start3A] : memref<80x128xi32, #tpu.memory_space<vmem>> -> memref<1x128xi32, #tpu.memory_space<vmem>>
        %dma_start3A_43 = tpu.memref_squeeze %dma_start3A_42 : memref<1x128xi32, #tpu.memory_space<vmem>> -> memref<128xi32, #tpu.memory_space<vmem>>
        %dma_start3A_44 = arith.constant 0 : i32
        %dma_start3A_45 = arith.constant 0 : i32
        %dma_start3A_46 = tpu.memref_slice %arg9[%dma_start3A_44, %dma_start3A_45] : memref<10240x128xf32, #tpu.memory_space<vmem_shared>> -> memref<10240x128xf32, #tpu.memory_space<vmem_shared>>
        tpu.enqueue_indirect_dma source(%arg8 : memref<128x128xf32, #tpu.memory_space<vmem>>) target(%dma_start3A_46 : memref<10240x128xf32, #tpu.memory_space<vmem_shared>>) offsets(%dma_start3A_43 : memref<128xi32, #tpu.memory_space<vmem>>) semaphore(%run_scoped3A : memref<!tpu.dma_semaphore, #tpu.memory_space<semaphore_mem>>) {add = true}
        %dma_wait3A = arith.constant 0 : i32
        %dma_wait3A_47 = tpu.memref_slice %arg7[%scan3A_39, %dma_wait3A] : memref<80x128xi32, #tpu.memory_space<vmem>> -> memref<1x128xi32, #tpu.memory_space<vmem>>
        %dma_wait3A_48 = tpu.memref_squeeze %dma_wait3A_47 : memref<1x128xi32, #tpu.memory_space<vmem>> -> memref<128xi32, #tpu.memory_space<vmem>>
        %dma_wait3A_49 = arith.constant 0 : i32
        %dma_wait3A_50 = arith.constant 0 : i32
        %dma_wait3A_51 = tpu.memref_slice %arg9[%dma_wait3A_49, %dma_wait3A_50] : memref<10240x128xf32, #tpu.memory_space<vmem_shared>> -> memref<10240x128xf32, #tpu.memory_space<vmem_shared>>
        tpu.wait_indirect_dma semaphore(%run_scoped3A : memref<!tpu.dma_semaphore, #tpu.memory_space<semaphore_mem>>) src(%arg8 : memref<128x128xf32, #tpu.memory_space<vmem>>) dst(%dma_wait3A_51 : memref<10240x128xf32, #tpu.memory_space<vmem_shared>>)
        tpu.yield
      }) : () -> ()
      %scan3A_41 = arith.constant 0 : i32
      scf.yield %scan3A_41 : i32
    }
    %scan3A_33 = arith.constant 80 : i32
    %barrier3A_34 = arith.constant 0 : index
    tpu.barrier barrier_id(%barrier3A_34)
    %mul3A_35 = arith.constant 640 : i32
    %mul3A_36 = arith.muli %arg1, %mul3A_35 : i32
    %mul3A_37 = arith.constant 640 : i32
    %mul3A_38 = arith.muli %arg1, %mul3A_37 : i32
    "tpu.region"() ({
      %run_scoped3A = tpu.sem_alloc : memref<!tpu.dma_semaphore, #tpu.memory_space<semaphore_mem>>
      %dma_start3A = arith.constant 0 : i32
      %dma_start3A_39 = tpu.memref_slice %arg5[%arg0, %mul3A_38, %dma_start3A] : memref<2x10240x128xf32, #tpu.memory_space<hbm>> -> memref<1x640x128xf32, #tpu.memory_space<hbm>>
      %dma_start3A_40 = tpu.memref_squeeze %dma_start3A_39 : memref<1x640x128xf32, #tpu.memory_space<hbm>> -> memref<640x128xf32, #tpu.memory_space<hbm>>
      %dma_start3A_41 = arith.constant 0 : i32
      %dma_start3A_42 = tpu.memref_slice %arg9[%mul3A_36, %dma_start3A_41] : memref<10240x128xf32, #tpu.memory_space<vmem_shared>> -> memref<640x128xf32, #tpu.memory_space<vmem_shared>>
      tpu.enqueue_dma source(%dma_start3A_42 : memref<640x128xf32, #tpu.memory_space<vmem_shared>>) target(%dma_start3A_40 : memref<640x128xf32, #tpu.memory_space<hbm>>) target_semaphore(%run_scoped3A : memref<!tpu.dma_semaphore, #tpu.memory_space<semaphore_mem>>)
      %dma_wait3A = arith.constant 0 : i32
      %dma_wait3A_43 = tpu.memref_slice %arg5[%arg0, %mul3A_38, %dma_wait3A] : memref<2x10240x128xf32, #tpu.memory_space<hbm>> -> memref<1x640x128xf32, #tpu.memory_space<hbm>>
      %dma_wait3A_44 = tpu.memref_squeeze %dma_wait3A_43 : memref<1x640x128xf32, #tpu.memory_space<hbm>> -> memref<640x128xf32, #tpu.memory_space<hbm>>
      %dma_wait3A_45 = arith.constant 0 : i32
      %dma_wait3A_46 = tpu.memref_slice %arg9[%mul3A_36, %dma_wait3A_45] : memref<10240x128xf32, #tpu.memory_space<vmem_shared>> -> memref<640x128xf32, #tpu.memory_space<vmem_shared>>
      tpu.wait_dma2 semaphore(%run_scoped3A : memref<!tpu.dma_semaphore, #tpu.memory_space<semaphore_mem>>) src(%dma_wait3A_46 : memref<640x128xf32, #tpu.memory_space<vmem_shared>>) dst(%dma_wait3A_44 : memref<640x128xf32, #tpu.memory_space<hbm>>)
      tpu.yield
    }) : () -> ()
    return
  }
}

#map = affine_map<(d0, d1) -> (0, 0, 0)>
module attributes {stable_mosaic.version = 14 : i64} {
  func.func @_sc_degree_body(%arg0: i32, %arg1: i32, %arg2: memref<32x80x128xi32, #tpu.memory_space<hbm>>, %arg3: memref<2x10240x16xf32, #tpu.memory_space<hbm>>, %arg4: memref<80x128xi32, #tpu.memory_space<vmem>>, %arg5: memref<128x16xf32, #tpu.memory_space<vmem>>, %arg6: memref<10240x16xf32, #tpu.memory_space<vmem_shared>>) attributes {dimension_semantics = [#tpu.dimension_semantics<core_parallel>, #tpu.dimension_semantics<subcore_parallel>], iteration_bounds = array<i64: 2, 16>, scalar_prefetch = 0 : i64, scratch_operands = 3 : i64, tpu.core_type = #tpu.core_type<sc_vector_subcore>, window_params = [{transform_indices = #map}, {transform_indices = #map}]} {
    %mul3A = arith.constant 2 : i32
    %mul3A_0 = arith.muli %arg1, %mul3A : i32
    %add3A = arith.addi %mul3A_0, %arg0 : i32
    %scan3A = arith.constant 0 : i32
    %scan3A_1 = arith.constant 0 : i32
    %scan3A_2 = arith.constant 128 : i32
    %scan3A_3 = arith.addi %scan3A_1, %scan3A_2 : i32
    %scan3A_4 = arith.constant 1 : i32
    %scan3A_5 = scf.for %scan3A_46 = %scan3A_1 to %scan3A_3 step %scan3A_4 iter_args(%scan3A_47 = %scan3A) -> (i32)  : i32 {
      %broadcast_in_dim3A = arith.constant 0.000000e+00 : f32
      %broadcast_in_dim3A_48 = vector.broadcast %broadcast_in_dim3A : f32 to vector<16xf32>
      %swap3A = arith.index_cast %scan3A_46 : i32 to index
      %swap3A_49 = arith.constant 0 : index
      %swap3A_50 = tpu.vector_load %arg5[%swap3A, %swap3A_49] {strides = array<i32>} : memref<128x16xf32, #tpu.memory_space<vmem>>, vector<1x16xf32>,
      %swap3A_51 = vector.shape_cast %swap3A_50 : vector<1x16xf32> to vector<16xf32>
      %swap3A_52 = vector.shape_cast %broadcast_in_dim3A_48 : vector<16xf32> to vector<1x16xf32>
      tpu.vector_store %arg5[%swap3A, %swap3A_49], %swap3A_52 {strides = array<i32>} : memref<128x16xf32, #tpu.memory_space<vmem>>, vector<1x16xf32>,
      %scan3A_53 = arith.constant 0 : i32
      scf.yield %scan3A_53 : i32
    }
    %scan3A_6 = arith.constant 128 : i32
    %mul3A_7 = arith.constant 640 : i32
    %mul3A_8 = arith.muli %arg1, %mul3A_7 : i32
    %add3A_9 = arith.constant 0 : i32
    %add3A_10 = arith.addi %mul3A_8, %add3A_9 : i32
    "tpu.region"() ({
      %run_scoped3A = tpu.sem_alloc : memref<!tpu.dma_semaphore, #tpu.memory_space<semaphore_mem>>
      %dma_start3A = arith.constant 0 : i32
      %dma_start3A_46 = tpu.memref_slice %arg6[%add3A_10, %dma_start3A] : memref<10240x16xf32, #tpu.memory_space<vmem_shared>> -> memref<128x16xf32, #tpu.memory_space<vmem_shared>>
      %dma_start3A_47 = arith.constant 0 : i32
      %dma_start3A_48 = tpu.memref_slice %arg6[%add3A_10, %dma_start3A_47] : memref<10240x16xf32, #tpu.memory_space<vmem_shared>> -> memref<128x16xf32, #tpu.memory_space<vmem_shared>>
      tpu.enqueue_dma source(%arg5 : memref<128x16xf32, #tpu.memory_space<vmem>>) target(%dma_start3A_48 : memref<128x16xf32, #tpu.memory_space<vmem_shared>>) target_semaphore(%run_scoped3A : memref<!tpu.dma_semaphore, #tpu.memory_space<semaphore_mem>>)
      %dma_wait3A = arith.constant 0 : i32
      %dma_wait3A_49 = tpu.memref_slice %arg6[%add3A_10, %dma_wait3A] : memref<10240x16xf32, #tpu.memory_space<vmem_shared>> -> memref<128x16xf32, #tpu.memory_space<vmem_shared>>
      %dma_wait3A_50 = arith.constant 0 : i32
      %dma_wait3A_51 = tpu.memref_slice %arg6[%add3A_10, %dma_wait3A_50] : memref<10240x16xf32, #tpu.memory_space<vmem_shared>> -> memref<128x16xf32, #tpu.memory_space<vmem_shared>>
      tpu.wait_dma2 semaphore(%run_scoped3A : memref<!tpu.dma_semaphore, #tpu.memory_space<semaphore_mem>>) src(%arg5 : memref<128x16xf32, #tpu.memory_space<vmem>>) dst(%dma_wait3A_51 : memref<128x16xf32, #tpu.memory_space<vmem_shared>>)
      tpu.yield
    }) : () -> ()
    %mul3A_11 = arith.constant 640 : i32
    %mul3A_12 = arith.muli %arg1, %mul3A_11 : i32
    %add3A_13 = arith.constant 128 : i32
    %add3A_14 = arith.addi %mul3A_12, %add3A_13 : i32
    "tpu.region"() ({
      %run_scoped3A = tpu.sem_alloc : memref<!tpu.dma_semaphore, #tpu.memory_space<semaphore_mem>>
      %dma_start3A = arith.constant 0 : i32
      %dma_start3A_46 = tpu.memref_slice %arg6[%add3A_14, %dma_start3A] : memref<10240x16xf32, #tpu.memory_space<vmem_shared>> -> memref<128x16xf32, #tpu.memory_space<vmem_shared>>
      %dma_start3A_47 = arith.constant 0 : i32
      %dma_start3A_48 = tpu.memref_slice %arg6[%add3A_14, %dma_start3A_47] : memref<10240x16xf32, #tpu.memory_space<vmem_shared>> -> memref<128x16xf32, #tpu.memory_space<vmem_shared>>
      tpu.enqueue_dma source(%arg5 : memref<128x16xf32, #tpu.memory_space<vmem>>) target(%dma_start3A_48 : memref<128x16xf32, #tpu.memory_space<vmem_shared>>) target_semaphore(%run_scoped3A : memref<!tpu.dma_semaphore, #tpu.memory_space<semaphore_mem>>)
      %dma_wait3A = arith.constant 0 : i32
      %dma_wait3A_49 = tpu.memref_slice %arg6[%add3A_14, %dma_wait3A] : memref<10240x16xf32, #tpu.memory_space<vmem_shared>> -> memref<128x16xf32, #tpu.memory_space<vmem_shared>>
      %dma_wait3A_50 = arith.constant 0 : i32
      %dma_wait3A_51 = tpu.memref_slice %arg6[%add3A_14, %dma_wait3A_50] : memref<10240x16xf32, #tpu.memory_space<vmem_shared>> -> memref<128x16xf32, #tpu.memory_space<vmem_shared>>
      tpu.wait_dma2 semaphore(%run_scoped3A : memref<!tpu.dma_semaphore, #tpu.memory_space<semaphore_mem>>) src(%arg5 : memref<128x16xf32, #tpu.memory_space<vmem>>) dst(%dma_wait3A_51 : memref<128x16xf32, #tpu.memory_space<vmem_shared>>)
      tpu.yield
    }) : () -> ()
    %mul3A_15 = arith.constant 640 : i32
    %mul3A_16 = arith.muli %arg1, %mul3A_15 : i32
    %add3A_17 = arith.constant 256 : i32
    %add3A_18 = arith.addi %mul3A_16, %add3A_17 : i32
    "tpu.region"() ({
      %run_scoped3A = tpu.sem_alloc : memref<!tpu.dma_semaphore, #tpu.memory_space<semaphore_mem>>
      %dma_start3A = arith.constant 0 : i32
      %dma_start3A_46 = tpu.memref_slice %arg6[%add3A_18, %dma_start3A] : memref<10240x16xf32, #tpu.memory_space<vmem_shared>> -> memref<128x16xf32, #tpu.memory_space<vmem_shared>>
      %dma_start3A_47 = arith.constant 0 : i32
      %dma_start3A_48 = tpu.memref_slice %arg6[%add3A_18, %dma_start3A_47] : memref<10240x16xf32, #tpu.memory_space<vmem_shared>> -> memref<128x16xf32, #tpu.memory_space<vmem_shared>>
      tpu.enqueue_dma source(%arg5 : memref<128x16xf32, #tpu.memory_space<vmem>>) target(%dma_start3A_48 : memref<128x16xf32, #tpu.memory_space<vmem_shared>>) target_semaphore(%run_scoped3A : memref<!tpu.dma_semaphore, #tpu.memory_space<semaphore_mem>>)
      %dma_wait3A = arith.constant 0 : i32
      %dma_wait3A_49 = tpu.memref_slice %arg6[%add3A_18, %dma_wait3A] : memref<10240x16xf32, #tpu.memory_space<vmem_shared>> -> memref<128x16xf32, #tpu.memory_space<vmem_shared>>
      %dma_wait3A_50 = arith.constant 0 : i32
      %dma_wait3A_51 = tpu.memref_slice %arg6[%add3A_18, %dma_wait3A_50] : memref<10240x16xf32, #tpu.memory_space<vmem_shared>> -> memref<128x16xf32, #tpu.memory_space<vmem_shared>>
      tpu.wait_dma2 semaphore(%run_scoped3A : memref<!tpu.dma_semaphore, #tpu.memory_space<semaphore_mem>>) src(%arg5 : memref<128x16xf32, #tpu.memory_space<vmem>>) dst(%dma_wait3A_51 : memref<128x16xf32, #tpu.memory_space<vmem_shared>>)
      tpu.yield
    }) : () -> ()
    %mul3A_19 = arith.constant 640 : i32
    %mul3A_20 = arith.muli %arg1, %mul3A_19 : i32
    %add3A_21 = arith.constant 384 : i32
    %add3A_22 = arith.addi %mul3A_20, %add3A_21 : i32
    "tpu.region"() ({
      %run_scoped3A = tpu.sem_alloc : memref<!tpu.dma_semaphore, #tpu.memory_space<semaphore_mem>>
      %dma_start3A = arith.constant 0 : i32
      %dma_start3A_46 = tpu.memref_slice %arg6[%add3A_22, %dma_start3A] : memref<10240x16xf32, #tpu.memory_space<vmem_shared>> -> memref<128x16xf32, #tpu.memory_space<vmem_shared>>
      %dma_start3A_47 = arith.constant 0 : i32
      %dma_start3A_48 = tpu.memref_slice %arg6[%add3A_22, %dma_start3A_47] : memref<10240x16xf32, #tpu.memory_space<vmem_shared>> -> memref<128x16xf32, #tpu.memory_space<vmem_shared>>
      tpu.enqueue_dma source(%arg5 : memref<128x16xf32, #tpu.memory_space<vmem>>) target(%dma_start3A_48 : memref<128x16xf32, #tpu.memory_space<vmem_shared>>) target_semaphore(%run_scoped3A : memref<!tpu.dma_semaphore, #tpu.memory_space<semaphore_mem>>)
      %dma_wait3A = arith.constant 0 : i32
      %dma_wait3A_49 = tpu.memref_slice %arg6[%add3A_22, %dma_wait3A] : memref<10240x16xf32, #tpu.memory_space<vmem_shared>> -> memref<128x16xf32, #tpu.memory_space<vmem_shared>>
      %dma_wait3A_50 = arith.constant 0 : i32
      %dma_wait3A_51 = tpu.memref_slice %arg6[%add3A_22, %dma_wait3A_50] : memref<10240x16xf32, #tpu.memory_space<vmem_shared>> -> memref<128x16xf32, #tpu.memory_space<vmem_shared>>
      tpu.wait_dma2 semaphore(%run_scoped3A : memref<!tpu.dma_semaphore, #tpu.memory_space<semaphore_mem>>) src(%arg5 : memref<128x16xf32, #tpu.memory_space<vmem>>) dst(%dma_wait3A_51 : memref<128x16xf32, #tpu.memory_space<vmem_shared>>)
      tpu.yield
    }) : () -> ()
    %mul3A_23 = arith.constant 640 : i32
    %mul3A_24 = arith.muli %arg1, %mul3A_23 : i32
    %add3A_25 = arith.constant 512 : i32
    %add3A_26 = arith.addi %mul3A_24, %add3A_25 : i32
    "tpu.region"() ({
      %run_scoped3A = tpu.sem_alloc : memref<!tpu.dma_semaphore, #tpu.memory_space<semaphore_mem>>
      %dma_start3A = arith.constant 0 : i32
      %dma_start3A_46 = tpu.memref_slice %arg6[%add3A_26, %dma_start3A] : memref<10240x16xf32, #tpu.memory_space<vmem_shared>> -> memref<128x16xf32, #tpu.memory_space<vmem_shared>>
      %dma_start3A_47 = arith.constant 0 : i32
      %dma_start3A_48 = tpu.memref_slice %arg6[%add3A_26, %dma_start3A_47] : memref<10240x16xf32, #tpu.memory_space<vmem_shared>> -> memref<128x16xf32, #tpu.memory_space<vmem_shared>>
      tpu.enqueue_dma source(%arg5 : memref<128x16xf32, #tpu.memory_space<vmem>>) target(%dma_start3A_48 : memref<128x16xf32, #tpu.memory_space<vmem_shared>>) target_semaphore(%run_scoped3A : memref<!tpu.dma_semaphore, #tpu.memory_space<semaphore_mem>>)
      %dma_wait3A = arith.constant 0 : i32
      %dma_wait3A_49 = tpu.memref_slice %arg6[%add3A_26, %dma_wait3A] : memref<10240x16xf32, #tpu.memory_space<vmem_shared>> -> memref<128x16xf32, #tpu.memory_space<vmem_shared>>
      %dma_wait3A_50 = arith.constant 0 : i32
      %dma_wait3A_51 = tpu.memref_slice %arg6[%add3A_26, %dma_wait3A_50] : memref<10240x16xf32, #tpu.memory_space<vmem_shared>> -> memref<128x16xf32, #tpu.memory_space<vmem_shared>>
      tpu.wait_dma2 semaphore(%run_scoped3A : memref<!tpu.dma_semaphore, #tpu.memory_space<semaphore_mem>>) src(%arg5 : memref<128x16xf32, #tpu.memory_space<vmem>>) dst(%dma_wait3A_51 : memref<128x16xf32, #tpu.memory_space<vmem_shared>>)
      tpu.yield
    }) : () -> ()
    %scan3A_27 = arith.constant 0 : i32
    %scan3A_28 = arith.constant 0 : i32
    %scan3A_29 = arith.constant 128 : i32
    %scan3A_30 = arith.addi %scan3A_28, %scan3A_29 : i32
    %scan3A_31 = arith.constant 1 : i32
    %scan3A_32 = scf.for %scan3A_46 = %scan3A_28 to %scan3A_30 step %scan3A_31 iter_args(%scan3A_47 = %scan3A_27) -> (i32)  : i32 {
      %broadcast_in_dim3A = arith.constant 1.000000e+00 : f32
      %broadcast_in_dim3A_48 = vector.broadcast %broadcast_in_dim3A : f32 to vector<16xf32>
      %swap3A = arith.index_cast %scan3A_46 : i32 to index
      %swap3A_49 = arith.constant 0 : index
      %swap3A_50 = tpu.vector_load %arg5[%swap3A, %swap3A_49] {strides = array<i32>} : memref<128x16xf32, #tpu.memory_space<vmem>>, vector<1x16xf32>,
      %swap3A_51 = vector.shape_cast %swap3A_50 : vector<1x16xf32> to vector<16xf32>
      %swap3A_52 = vector.shape_cast %broadcast_in_dim3A_48 : vector<16xf32> to vector<1x16xf32>
      tpu.vector_store %arg5[%swap3A, %swap3A_49], %swap3A_52 {strides = array<i32>} : memref<128x16xf32, #tpu.memory_space<vmem>>, vector<1x16xf32>,
      %scan3A_53 = arith.constant 0 : i32
      scf.yield %scan3A_53 : i32
    }
    %scan3A_33 = arith.constant 128 : i32
    %barrier3A = arith.constant 0 : index
    tpu.barrier barrier_id(%barrier3A)
    "tpu.region"() ({
      %run_scoped3A = tpu.sem_alloc : memref<!tpu.dma_semaphore, #tpu.memory_space<semaphore_mem>>
      %dma_start3A = arith.constant 0 : i32
      %dma_start3A_46 = arith.constant 0 : i32
      %dma_start3A_47 = tpu.memref_slice %arg2[%add3A, %dma_start3A, %dma_start3A_46] : memref<32x80x128xi32, #tpu.memory_space<hbm>> -> memref<1x80x128xi32, #tpu.memory_space<hbm>>
      %dma_start3A_48 = tpu.memref_squeeze %dma_start3A_47 : memref<1x80x128xi32, #tpu.memory_space<hbm>> -> memref<80x128xi32, #tpu.memory_space<hbm>>
      %dma_start3A_49 = arith.constant 0 : i32
      %dma_start3A_50 = arith.constant 0 : i32
      %dma_start3A_51 = tpu.memref_slice %arg2[%add3A, %dma_start3A_49, %dma_start3A_50] : memref<32x80x128xi32, #tpu.memory_space<hbm>> -> memref<1x80x128xi32, #tpu.memory_space<hbm>>
      %dma_start3A_52 = tpu.memref_squeeze %dma_start3A_51 : memref<1x80x128xi32, #tpu.memory_space<hbm>> -> memref<80x128xi32, #tpu.memory_space<hbm>>
      tpu.enqueue_dma source(%dma_start3A_52 : memref<80x128xi32, #tpu.memory_space<hbm>>) target(%arg4 : memref<80x128xi32, #tpu.memory_space<vmem>>) target_semaphore(%run_scoped3A : memref<!tpu.dma_semaphore, #tpu.memory_space<semaphore_mem>>)
      %dma_wait3A = arith.constant 0 : i32
      %dma_wait3A_53 = arith.constant 0 : i32
      %dma_wait3A_54 = tpu.memref_slice %arg2[%add3A, %dma_wait3A, %dma_wait3A_53] : memref<32x80x128xi32, #tpu.memory_space<hbm>> -> memref<1x80x128xi32, #tpu.memory_space<hbm>>
      %dma_wait3A_55 = tpu.memref_squeeze %dma_wait3A_54 : memref<1x80x128xi32, #tpu.memory_space<hbm>> -> memref<80x128xi32, #tpu.memory_space<hbm>>
      %dma_wait3A_56 = arith.constant 0 : i32
      %dma_wait3A_57 = arith.constant 0 : i32
      %dma_wait3A_58 = tpu.memref_slice %arg2[%add3A, %dma_wait3A_56, %dma_wait3A_57] : memref<32x80x128xi32, #tpu.memory_space<hbm>> -> memref<1x80x128xi32, #tpu.memory_space<hbm>>
      %dma_wait3A_59 = tpu.memref_squeeze %dma_wait3A_58 : memref<1x80x128xi32, #tpu.memory_space<hbm>> -> memref<80x128xi32, #tpu.memory_space<hbm>>
      tpu.wait_dma2 semaphore(%run_scoped3A : memref<!tpu.dma_semaphore, #tpu.memory_space<semaphore_mem>>) src(%dma_wait3A_59 : memref<80x128xi32, #tpu.memory_space<hbm>>) dst(%arg4 : memref<80x128xi32, #tpu.memory_space<vmem>>)
      tpu.yield
    }) : () -> ()
    %scan3A_34 = arith.constant 0 : i32
    %scan3A_35 = arith.constant 0 : i32
    %scan3A_36 = arith.constant 80 : i32
    %scan3A_37 = arith.addi %scan3A_35, %scan3A_36 : i32
    %scan3A_38 = arith.constant 1 : i32
    %scan3A_39 = scf.for %scan3A_46 = %scan3A_35 to %scan3A_37 step %scan3A_38 iter_args(%scan3A_47 = %scan3A_34) -> (i32)  : i32 {
      "tpu.region"() ({
        %run_scoped3A = tpu.sem_alloc : memref<!tpu.dma_semaphore, #tpu.memory_space<semaphore_mem>>
        %dma_start3A = arith.constant 0 : i32
        %dma_start3A_49 = tpu.memref_slice %arg4[%scan3A_46, %dma_start3A] : memref<80x128xi32, #tpu.memory_space<vmem>> -> memref<1x128xi32, #tpu.memory_space<vmem>>
        %dma_start3A_50 = tpu.memref_squeeze %dma_start3A_49 : memref<1x128xi32, #tpu.memory_space<vmem>> -> memref<128xi32, #tpu.memory_space<vmem>>
        %dma_start3A_51 = arith.constant 0 : i32
        %dma_start3A_52 = arith.constant 0 : i32
        %dma_start3A_53 = tpu.memref_slice %arg6[%dma_start3A_51, %dma_start3A_52] : memref<10240x16xf32, #tpu.memory_space<vmem_shared>> -> memref<10240x16xf32, #tpu.memory_space<vmem_shared>>
        tpu.enqueue_indirect_dma source(%arg5 : memref<128x16xf32, #tpu.memory_space<vmem>>) target(%dma_start3A_53 : memref<10240x16xf32, #tpu.memory_space<vmem_shared>>) offsets(%dma_start3A_50 : memref<128xi32, #tpu.memory_space<vmem>>) semaphore(%run_scoped3A : memref<!tpu.dma_semaphore, #tpu.memory_space<semaphore_mem>>) {add = true}
        %dma_wait3A = arith.constant 0 : i32
        %dma_wait3A_54 = tpu.memref_slice %arg4[%scan3A_46, %dma_wait3A] : memref<80x128xi32, #tpu.memory_space<vmem>> -> memref<1x128xi32, #tpu.memory_space<vmem>>
        %dma_wait3A_55 = tpu.memref_squeeze %dma_wait3A_54 : memref<1x128xi32, #tpu.memory_space<vmem>> -> memref<128xi32, #tpu.memory_space<vmem>>
        %dma_wait3A_56 = arith.constant 0 : i32
        %dma_wait3A_57 = arith.constant 0 : i32
        %dma_wait3A_58 = tpu.memref_slice %arg6[%dma_wait3A_56, %dma_wait3A_57] : memref<10240x16xf32, #tpu.memory_space<vmem_shared>> -> memref<10240x16xf32, #tpu.memory_space<vmem_shared>>
        tpu.wait_indirect_dma semaphore(%run_scoped3A : memref<!tpu.dma_semaphore, #tpu.memory_space<semaphore_mem>>) src(%arg5 : memref<128x16xf32, #tpu.memory_space<vmem>>) dst(%dma_wait3A_58 : memref<10240x16xf32, #tpu.memory_space<vmem_shared>>)
        tpu.yield
      }) : () -> ()
      %scan3A_48 = arith.constant 0 : i32
      scf.yield %scan3A_48 : i32
    }
    %scan3A_40 = arith.constant 80 : i32
    %barrier3A_41 = arith.constant 0 : index
    tpu.barrier barrier_id(%barrier3A_41)
    %mul3A_42 = arith.constant 640 : i32
    %mul3A_43 = arith.muli %arg1, %mul3A_42 : i32
    %mul3A_44 = arith.constant 640 : i32
    %mul3A_45 = arith.muli %arg1, %mul3A_44 : i32
    "tpu.region"() ({
      %run_scoped3A = tpu.sem_alloc : memref<!tpu.dma_semaphore, #tpu.memory_space<semaphore_mem>>
      %dma_start3A = arith.constant 0 : i32
      %dma_start3A_46 = tpu.memref_slice %arg3[%arg0, %mul3A_45, %dma_start3A] : memref<2x10240x16xf32, #tpu.memory_space<hbm>> -> memref<1x640x16xf32, #tpu.memory_space<hbm>>
      %dma_start3A_47 = tpu.memref_squeeze %dma_start3A_46 : memref<1x640x16xf32, #tpu.memory_space<hbm>> -> memref<640x16xf32, #tpu.memory_space<hbm>>
      %dma_start3A_48 = arith.constant 0 : i32
      %dma_start3A_49 = tpu.memref_slice %arg6[%mul3A_43, %dma_start3A_48] : memref<10240x16xf32, #tpu.memory_space<vmem_shared>> -> memref<640x16xf32, #tpu.memory_space<vmem_shared>>
      tpu.enqueue_dma source(%dma_start3A_49 : memref<640x16xf32, #tpu.memory_space<vmem_shared>>) target(%dma_start3A_47 : memref<640x16xf32, #tpu.memory_space<hbm>>) target_semaphore(%run_scoped3A : memref<!tpu.dma_semaphore, #tpu.memory_space<semaphore_mem>>)
      %dma_wait3A = arith.constant 0 : i32
      %dma_wait3A_50 = tpu.memref_slice %arg3[%arg0, %mul3A_45, %dma_wait3A] : memref<2x10240x16xf32, #tpu.memory_space<hbm>> -> memref<1x640x16xf32, #tpu.memory_space<hbm>>
      %dma_wait3A_51 = tpu.memref_squeeze %dma_wait3A_50 : memref<1x640x16xf32, #tpu.memory_space<hbm>> -> memref<640x16xf32, #tpu.memory_space<hbm>>
      %dma_wait3A_52 = arith.constant 0 : i32
      %dma_wait3A_53 = tpu.memref_slice %arg6[%mul3A_43, %dma_wait3A_52] : memref<10240x16xf32, #tpu.memory_space<vmem_shared>> -> memref<640x16xf32, #tpu.memory_space<vmem_shared>>
      tpu.wait_dma2 semaphore(%run_scoped3A : memref<!tpu.dma_semaphore, #tpu.memory_space<semaphore_mem>>) src(%dma_wait3A_53 : memref<640x16xf32, #tpu.memory_space<vmem_shared>>) dst(%dma_wait3A_51 : memref<640x16xf32, #tpu.memory_space<hbm>>)
      tpu.yield
    }) : () -> ()
    return
  }
}

module attributes {stable_mosaic.version = 14 : i64} {
  func.func @_prep_body(%arg0: i32, %arg1: memref<2x10240x16xf32, #tpu.memory_space<vmem>>, %arg2: memref<10240x128xf32, #tpu.memory_space<vmem>>, %arg3: memref<10240x128xf32, #tpu.memory_space<vmem>>) attributes {dimension_semantics = [#tpu.dimension_semantics<arbitrary>], iteration_bounds = array<i64: 1>, scalar_prefetch = 0 : i64, scratch_operands = 0 : i64, tpu.core_type = #tpu.core_type<tc>, window_params = [{transform_indices = @transform_0, window_bounds = array<i64: 2, 10240, 16>}, {transform_indices = @transform_1, window_bounds = array<i64: 10240, 128>}, {transform_indices = @transform_2, window_bounds = array<i64: 10240, 128>}]} {
    %get3A = arith.constant 0 : index
    %get3A_0 = arith.constant 0 : index
    %get3A_1 = arith.constant 0 : index
    %get3A_2 = vector.load %arg1[%get3A, %get3A_0, %get3A_1] : memref<2x10240x16xf32, #tpu.memory_space<vmem>>, vector<1x10240x16xf32>
    %get3A_3 = vector.shape_cast %get3A_2 : vector<1x10240x16xf32> to vector<10240x16xf32>
    %reduce_sum3A = arith.constant dense<0.000000e+00> : vector<10240xf32>
    %reduce_sum3A_4 = vector.multi_reduction <add>, %get3A_3, %reduce_sum3A [1] : vector<10240x16xf32> to vector<10240xf32>
    %get3A_5 = arith.constant 1 : index
    %get3A_6 = arith.constant 0 : index
    %get3A_7 = arith.constant 0 : index
    %get3A_8 = vector.load %arg1[%get3A_5, %get3A_6, %get3A_7] : memref<2x10240x16xf32, #tpu.memory_space<vmem>>, vector<1x10240x16xf32>
    %get3A_9 = vector.shape_cast %get3A_8 : vector<1x10240x16xf32> to vector<10240x16xf32>
    %reduce_sum3A_10 = arith.constant dense<0.000000e+00> : vector<10240xf32>
    %reduce_sum3A_11 = vector.multi_reduction <add>, %get3A_9, %reduce_sum3A_10 [1] : vector<10240x16xf32> to vector<10240xf32>
    %add3A = arith.addf %reduce_sum3A_4, %reduce_sum3A_11 : vector<10240xf32>
    %mul3A = arith.constant 6.250000e-02 : f32
    %mul3A_12 = vector.broadcast %mul3A : f32 to vector<10240xf32>
    %mul3A_13 = arith.mulf %add3A, %mul3A_12 : vector<10240xf32>
    %add3A_14 = arith.constant 1.000000e+00 : f32
    %add3A_15 = vector.broadcast %add3A_14 : f32 to vector<10240xf32>
    %add3A_16 = arith.addf %mul3A_13, %add3A_15 : vector<10240xf32>
    %rsqrt3A = math.rsqrt %add3A_16 : vector<10240xf32>
    %broadcast_in_dim3A = vector.shape_cast %rsqrt3A : vector<10240xf32> to vector<10240x1xf32>
    %get3A_17 = arith.constant 0 : index
    %get3A_18 = arith.constant 0 : index
    %get3A_19 = vector.load %arg2[%get3A_17, %get3A_18] : memref<10240x128xf32, #tpu.memory_space<vmem>>, vector<10240x128xf32>
    %mul3A_20 = vector.broadcast %broadcast_in_dim3A : vector<10240x1xf32> to vector<10240x128xf32>
    %mul3A_21 = arith.mulf %mul3A_20, %get3A_19 : vector<10240x128xf32>
    %swap3A = arith.constant 0 : index
    %swap3A_22 = arith.constant 0 : index
    %swap3A_23 = vector.load %arg3[%swap3A, %swap3A_22] : memref<10240x128xf32, #tpu.memory_space<vmem>>, vector<10240x128xf32>
    tpu.vector_store %arg3[%swap3A, %swap3A_22], %mul3A_21 {strides = array<i32>} : memref<10240x128xf32, #tpu.memory_space<vmem>>, vector<10240x128xf32>,
    return
  }
  func.func @transform_0(%arg0: i32) -> (i32, i32, i32) {
    %c0_i32 = arith.constant 0 : i32
    %c0_i32_0 = arith.constant 0 : i32
    %c0_i32_1 = arith.constant 0 : i32
    return %c0_i32, %arg0, %c0_i32_0 : i32, i32, i32
  }
  func.func @transform_1(%arg0: i32) -> (i32, i32) {
    %c0_i32 = arith.constant 0 : i32
    %c0_i32_0 = arith.constant 0 : i32
    return %arg0, %c0_i32 : i32, i32
  }
  func.func @transform_2(%arg0: i32) -> (i32, i32) {
    %c0_i32 = arith.constant 0 : i32
    %c0_i32_0 = arith.constant 0 : i32
    return %arg0, %c0_i32 : i32, i32
  }
}

module attributes {stable_mosaic.version = 14 : i64} {
  func.func @_gru_body(%arg0: i32, %arg1: memref<2x10000x16xf32, #tpu.memory_space<vmem>>, %arg2: memref<2x10000x128xf32, #tpu.memory_space<vmem>>, %arg3: memref<10000x128xf32, #tpu.memory_space<vmem>>, %arg4: memref<10000x128xf32, #tpu.memory_space<vmem>>, %arg5: memref<128x384xf32, #tpu.memory_space<vmem>>, %arg6: memref<128x384xf32, #tpu.memory_space<vmem>>, %arg7: memref<1x384xf32, #tpu.memory_space<vmem>>, %arg8: memref<1x384xf32, #tpu.memory_space<vmem>>, %arg9: memref<10000x128xf32, #tpu.memory_space<vmem>>) attributes {dimension_semantics = [#tpu.dimension_semantics<arbitrary>], iteration_bounds = array<i64: 1>, scalar_prefetch = 0 : i64, scratch_operands = 0 : i64, tpu.core_type = #tpu.core_type<tc>, window_params = [{transform_indices = @transform_0, window_bounds = array<i64: 2, 10000, 16>}, {transform_indices = @transform_1, window_bounds = array<i64: 2, 10000, 128>}, {transform_indices = @transform_2, window_bounds = array<i64: 10000, 128>}, {transform_indices = @transform_3, window_bounds = array<i64: 10000, 128>}, {pipeline_mode = #tpu.pipeline_mode<synchronous>, transform_indices = @transform_4, window_bounds = array<i64: 128, 384>}, {pipeline_mode = #tpu.pipeline_mode<synchronous>, transform_indices = @transform_5, window_bounds = array<i64: 128, 384>}, {pipeline_mode = #tpu.pipeline_mode<synchronous>, transform_indices = @transform_6, window_bounds = array<i64: 1, 384>}, {pipeline_mode = #tpu.pipeline_mode<synchronous>, transform_indices = @transform_7, window_bounds = array<i64: 1, 384>}, {transform_indices = @transform_8, window_bounds = array<i64: 10000, 128>}]} {
    %get3A = arith.constant 0 : index
    %get3A_0 = arith.constant 0 : index
    %get3A_1 = arith.constant 0 : index
    %get3A_2 = vector.load %arg1[%get3A, %get3A_0, %get3A_1] : memref<2x10000x16xf32, #tpu.memory_space<vmem>>, vector<1x10000x16xf32>
    %get3A_3 = vector.shape_cast %get3A_2 : vector<1x10000x16xf32> to vector<10000x16xf32>
    %reduce_sum3A = arith.constant dense<0.000000e+00> : vector<10000xf32>
    %reduce_sum3A_4 = vector.multi_reduction <add>, %get3A_3, %reduce_sum3A [1] : vector<10000x16xf32> to vector<10000xf32>
    %get3A_5 = arith.constant 1 : index
    %get3A_6 = arith.constant 0 : index
    %get3A_7 = arith.constant 0 : index
    %get3A_8 = vector.load %arg1[%get3A_5, %get3A_6, %get3A_7] : memref<2x10000x16xf32, #tpu.memory_space<vmem>>, vector<1x10000x16xf32>
    %get3A_9 = vector.shape_cast %get3A_8 : vector<1x10000x16xf32> to vector<10000x16xf32>
    %reduce_sum3A_10 = arith.constant dense<0.000000e+00> : vector<10000xf32>
    %reduce_sum3A_11 = vector.multi_reduction <add>, %get3A_9, %reduce_sum3A_10 [1] : vector<10000x16xf32> to vector<10000xf32>
    %add3A = arith.addf %reduce_sum3A_4, %reduce_sum3A_11 : vector<10000xf32>
    %mul3A = arith.constant 6.250000e-02 : f32
    %mul3A_12 = vector.broadcast %mul3A : f32 to vector<10000xf32>
    %mul3A_13 = arith.mulf %add3A, %mul3A_12 : vector<10000xf32>
    %add3A_14 = arith.constant 1.000000e+00 : f32
    %add3A_15 = vector.broadcast %add3A_14 : f32 to vector<10000xf32>
    %add3A_16 = arith.addf %mul3A_13, %add3A_15 : vector<10000xf32>
    %rsqrt3A = math.rsqrt %add3A_16 : vector<10000xf32>
    %broadcast_in_dim3A = vector.shape_cast %rsqrt3A : vector<10000xf32> to vector<10000x1xf32>
    %get3A_17 = arith.constant 0 : index
    %get3A_18 = arith.constant 0 : index
    %get3A_19 = arith.constant 0 : index
    %get3A_20 = vector.load %arg2[%get3A_17, %get3A_18, %get3A_19] : memref<2x10000x128xf32, #tpu.memory_space<vmem>>, vector<1x10000x128xf32>
    %get3A_21 = vector.shape_cast %get3A_20 : vector<1x10000x128xf32> to vector<10000x128xf32>
    %get3A_22 = arith.constant 1 : index
    %get3A_23 = arith.constant 0 : index
    %get3A_24 = arith.constant 0 : index
    %get3A_25 = vector.load %arg2[%get3A_22, %get3A_23, %get3A_24] : memref<2x10000x128xf32, #tpu.memory_space<vmem>>, vector<1x10000x128xf32>
    %get3A_26 = vector.shape_cast %get3A_25 : vector<1x10000x128xf32> to vector<10000x128xf32>
    %add3A_27 = arith.addf %get3A_21, %get3A_26 : vector<10000x128xf32>
    %get3A_28 = arith.constant 0 : index
    %get3A_29 = arith.constant 0 : index
    %get3A_30 = vector.load %arg3[%get3A_28, %get3A_29] : memref<10000x128xf32, #tpu.memory_space<vmem>>, vector<10000x128xf32>
    %add3A_31 = arith.addf %add3A_27, %get3A_30 : vector<10000x128xf32>
    %mul3A_32 = vector.broadcast %broadcast_in_dim3A : vector<10000x1xf32> to vector<10000x128xf32>
    %mul3A_33 = arith.mulf %mul3A_32, %add3A_31 : vector<10000x128xf32>
    %get3A_34 = arith.constant 0 : index
    %get3A_35 = arith.constant 0 : index
    %get3A_36 = vector.load %arg4[%get3A_34, %get3A_35] : memref<10000x128xf32, #tpu.memory_space<vmem>>, vector<10000x128xf32>
    %get3A_37 = arith.constant 0 : index
    %get3A_38 = arith.constant 0 : index
    %get3A_39 = vector.load %arg5[%get3A_37, %get3A_38] : memref<128x384xf32, #tpu.memory_space<vmem>>, vector<128x384xf32>
    %dot_general3A = arith.constant dense<0.000000e+00> : vector<10000x384xf32>
    %dot_general3A_40 = tpu.matmul %mul3A_33, %get3A_39, %dot_general3A {dimension_numbers = #tpu.dot_dimension_numbers<[1], [0], [0], [1], [0, 0, 1, 1], [], []>, transpose_lhs_hint = false} : vector<10000x128xf32>, vector<128x384xf32>, vector<10000x384xf32> -> vector<10000x384xf32>
    %get3A_41 = arith.constant 0 : index
    %get3A_42 = arith.constant 0 : index
    %get3A_43 = vector.load %arg7[%get3A_41, %get3A_42] : memref<1x384xf32, #tpu.memory_space<vmem>>, vector<1x384xf32>
    %add3A_44 = vector.broadcast %get3A_43 : vector<1x384xf32> to vector<10000x384xf32>
    %add3A_45 = arith.addf %dot_general3A_40, %add3A_44 : vector<10000x384xf32>
    %get3A_46 = arith.constant 0 : index
    %get3A_47 = arith.constant 0 : index
    %get3A_48 = vector.load %arg6[%get3A_46, %get3A_47] : memref<128x384xf32, #tpu.memory_space<vmem>>, vector<128x384xf32>
    %dot_general3A_49 = arith.constant dense<0.000000e+00> : vector<10000x384xf32>
    %dot_general3A_50 = tpu.matmul %get3A_36, %get3A_48, %dot_general3A_49 {dimension_numbers = #tpu.dot_dimension_numbers<[1], [0], [0], [1], [0, 0, 1, 1], [], []>, transpose_lhs_hint = false} : vector<10000x128xf32>, vector<128x384xf32>, vector<10000x384xf32> -> vector<10000x384xf32>
    %get3A_51 = arith.constant 0 : index
    %get3A_52 = arith.constant 0 : index
    %get3A_53 = vector.load %arg8[%get3A_51, %get3A_52] : memref<1x384xf32, #tpu.memory_space<vmem>>, vector<1x384xf32>
    %add3A_54 = vector.broadcast %get3A_53 : vector<1x384xf32> to vector<10000x384xf32>
    %add3A_55 = arith.addf %dot_general3A_50, %add3A_54 : vector<10000x384xf32>
    %slice3A = vector.extract_strided_slice %add3A_45 {offsets = [0, 0], sizes = [10000, 128], strides = [1, 1]} : vector<10000x384xf32> to vector<10000x128xf32>
    %slice3A_56 = vector.extract_strided_slice %add3A_55 {offsets = [0, 0], sizes = [10000, 128], strides = [1, 1]} : vector<10000x384xf32> to vector<10000x128xf32>
    %add3A_57 = arith.addf %slice3A, %slice3A_56 : vector<10000x128xf32>
    %logistic3A = arith.negf %add3A_57 : vector<10000x128xf32>
    %logistic3A_58 = math.exp %logistic3A : vector<10000x128xf32>
    %logistic3A_59 = arith.constant 1.000000e+00 : f32
    %logistic3A_60 = vector.broadcast %logistic3A_59 : f32 to vector<10000x128xf32>
    %logistic3A_61 = arith.addf %logistic3A_60, %logistic3A_58 : vector<10000x128xf32>
    %logistic3A_62 = arith.divf %logistic3A_60, %logistic3A_61 : vector<10000x128xf32>
    %slice3A_63 = vector.extract_strided_slice %add3A_45 {offsets = [0, 128], sizes = [10000, 128], strides = [1, 1]} : vector<10000x384xf32> to vector<10000x128xf32>
    %slice3A_64 = vector.extract_strided_slice %add3A_55 {offsets = [0, 128], sizes = [10000, 128], strides = [1, 1]} : vector<10000x384xf32> to vector<10000x128xf32>
    %add3A_65 = arith.addf %slice3A_63, %slice3A_64 : vector<10000x128xf32>
    %logistic3A_66 = arith.negf %add3A_65 : vector<10000x128xf32>
    %logistic3A_67 = math.exp %logistic3A_66 : vector<10000x128xf32>
    %logistic3A_68 = arith.constant 1.000000e+00 : f32
    %logistic3A_69 = vector.broadcast %logistic3A_68 : f32 to vector<10000x128xf32>
    %logistic3A_70 = arith.addf %logistic3A_69, %logistic3A_67 : vector<10000x128xf32>
    %logistic3A_71 = arith.divf %logistic3A_69, %logistic3A_70 : vector<10000x128xf32>
    %slice3A_72 = vector.extract_strided_slice %add3A_45 {offsets = [0, 256], sizes = [10000, 128], strides = [1, 1]} : vector<10000x384xf32> to vector<10000x128xf32>
    %slice3A_73 = vector.extract_strided_slice %add3A_55 {offsets = [0, 256], sizes = [10000, 128], strides = [1, 1]} : vector<10000x384xf32> to vector<10000x128xf32>
    %mul3A_74 = arith.mulf %logistic3A_62, %slice3A_73 : vector<10000x128xf32>
    %add3A_75 = arith.addf %slice3A_72, %mul3A_74 : vector<10000x128xf32>
    %tanh3A = math.tanh %add3A_75 : vector<10000x128xf32>
    %sub3A = arith.constant 1.000000e+00 : f32
    %sub3A_76 = vector.broadcast %sub3A : f32 to vector<10000x128xf32>
    %sub3A_77 = arith.subf %sub3A_76, %logistic3A_71 : vector<10000x128xf32>
    %mul3A_78 = arith.mulf %sub3A_77, %tanh3A : vector<10000x128xf32>
    %mul3A_79 = arith.mulf %logistic3A_71, %get3A_36 : vector<10000x128xf32>
    %add3A_80 = arith.addf %mul3A_78, %mul3A_79 : vector<10000x128xf32>
    %swap3A = arith.constant 0 : index
    %swap3A_81 = arith.constant 0 : index
    %swap3A_82 = vector.load %arg9[%swap3A, %swap3A_81] : memref<10000x128xf32, #tpu.memory_space<vmem>>, vector<10000x128xf32>
    tpu.vector_store %arg9[%swap3A, %swap3A_81], %add3A_80 {strides = array<i32>} : memref<10000x128xf32, #tpu.memory_space<vmem>>, vector<10000x128xf32>,
    return
  }
  func.func @transform_0(%arg0: i32) -> (i32, i32, i32) {
    %c0_i32 = arith.constant 0 : i32
    %c0_i32_0 = arith.constant 0 : i32
    %c0_i32_1 = arith.constant 0 : i32
    return %c0_i32, %arg0, %c0_i32_0 : i32, i32, i32
  }
  func.func @transform_1(%arg0: i32) -> (i32, i32, i32) {
    %c0_i32 = arith.constant 0 : i32
    %c0_i32_0 = arith.constant 0 : i32
    %c0_i32_1 = arith.constant 0 : i32
    return %c0_i32, %arg0, %c0_i32_0 : i32, i32, i32
  }
  func.func @transform_2(%arg0: i32) -> (i32, i32) {
    %c0_i32 = arith.constant 0 : i32
    %c0_i32_0 = arith.constant 0 : i32
    return %arg0, %c0_i32 : i32, i32
  }
  func.func @transform_3(%arg0: i32) -> (i32, i32) {
    %c0_i32 = arith.constant 0 : i32
    %c0_i32_0 = arith.constant 0 : i32
    return %arg0, %c0_i32 : i32, i32
  }
  func.func @transform_4(%arg0: i32) -> (i32, i32) {
    %c0_i32 = arith.constant 0 : i32
    %c0_i32_0 = arith.constant 0 : i32
    %c0_i32_1 = arith.constant 0 : i32
    return %c0_i32, %c0_i32_0 : i32, i32
  }
  func.func @transform_5(%arg0: i32) -> (i32, i32) {
    %c0_i32 = arith.constant 0 : i32
    %c0_i32_0 = arith.constant 0 : i32
    %c0_i32_1 = arith.constant 0 : i32
    return %c0_i32, %c0_i32_0 : i32, i32
  }
  func.func @transform_6(%arg0: i32) -> (i32, i32) {
    %c0_i32 = arith.constant 0 : i32
    %c0_i32_0 = arith.constant 0 : i32
    %c0_i32_1 = arith.constant 0 : i32
    return %c0_i32, %c0_i32_0 : i32, i32
  }
  func.func @transform_7(%arg0: i32) -> (i32, i32) {
    %c0_i32 = arith.constant 0 : i32
    %c0_i32_0 = arith.constant 0 : i32
    %c0_i32_1 = arith.constant 0 : i32
    return %c0_i32, %c0_i32_0 : i32, i32
  }
  func.func @transform_8(%arg0: i32) -> (i32, i32) {
    %c0_i32 = arith.constant 0 : i32
    %c0_i32_0 = arith.constant 0 : i32
    return %arg0, %c0_i32 : i32, i32
  }
}

</mosaic_0001>

<sc_bundles>
// kernel: kernel.6.cloned.1.call-start
scs
__scs_entry_jumppad:
0x0: {  	(pc) =	sbr.rel $0x88, $3  }
0x1: {  	(tag) =	ssettag $0x0;
	lr =	simm.s32 $0x1  }
0x2: {  	[smem:$0x3F9B] =	sst lr;
	_ =	strace $0xD0000000  }
0x3: {  	_ = 	snop  }
0x4: {  	_ = 	snop  }
0x5: {  	_ = 	snop  }
0x6: {  	_ = 	snop  }
0x7: {  	_ = 	snop  }
__scs_overlays_trampoline_lowered:
0x8: {  	[smem:$0x3FAA] =	sst s0  }
0x9: {  	[smem:$0x3FAB] =	sst s1  }
0xa: {  	[smem:$0x3FAC] =	sst s2  }
0xb: {  	[smem:$0x3FAD] =	sst s3  }
0xc: {  	[smem:$0x3FAE] =	sst s4  }
0xd: {  	[smem:$0x3FAF] =	sst s5  }
0xe: {  	[smem:$0x3FB0] =	sst s6  }
0xf: {  	[smem:$0x3FB1] =	sst s7  }
0x10: {  	[smem:$0x3FB2] =	sst s8  }
0x11: {  	[smem:$0x3FB3] =	sst s9;
	s0 =	simm.s32 @!p0 $0x0  }
0x12: {  	s1 =	sld [smem:$0x3F99];
	s0 =	simm.s32 @p0 $0x1  }
0x13: {  	[smem:$0x3FB4] =	sst s0;
	s0 =	simm.s32 @!p1 $0x0  }
0x14: {  	s2 =	sld [smem:$0x3F98];
	s0 =	simm.s32 @p1 $0x1  }
0x15: {  	[smem:$0x3FB5] =	sst s0;
	s0 =	simm.s32 @!p2 $0x0  }
0x16: {  	s3 =	sld [smem:$0x3FDB];
	s0 =	simm.s32 @p2 $0x1  }
0x17: {  	s4 =	simm.s32 $0x1BF5;
	[smem:$0x3FB7] =	sst s0  }
0x18: {  	s0 =	sld [smem:$0x3F9A];
	_ =	swait.ge [sflag:s4], $0x0  }
0x19: {  	s7 =	sld [smem:$0x3F9B]  }
0x1a: {  	s8 =	sadd.s32 $0xFFFFE003, lr  }
0x1b: {  	s9 =	sadd.s32 $0xFFFFFEF7, lr;
	s5 =	simm.s32 $0xFFFFFFFF;
	p2 =	slt.u32 s8, $0xFFFFF086  }
0x1c: {  	p1 =	slt.u32 s9, $0xF7A;
	s5 =	simm.s32 @!p2 $0x0  }
0x1d: {  	s5 =	simm.s32 @p1 $0x1;
	p0 =	seq.s32 s7, s2  }
0x1e: {  	s7 =	smul.u32 @!p0 $0xF7A, s2;
	p2 =	seq.s32 @!p0 s5, $0x0  }
0x1f: {  	s9 =	smul.u32 $0xF7A, s1;
	s8 =	simm.s32 @!p0 $0x1BF5;
	p2 =	por !p2, p0  }
0x20: {  	[sflag:s8] =	ssyncset.s32 @!p0 $0xFFFFF086;
	s6 =	sadd.s32 @!p0 s3, s7;
	s7 =	simm.s32 @!p0 $0x108  }
0x21: {  	s3 =	sadd.s32 s3, s9;
	s6 =	sadd.s32 @!p0 $0x88, s6;
	s7 =	simm.s32 @p2 $0x1082  }
0x22: {  	[simem:s7], [sflag:s8] =	dma.local @!p0 [hbm:s6], $0xF7A  }
0x23: {  	s9 =	sor.u32 $0xD0000000, s2;
	s6 =	simm.s32 $0x108;
	_ =	swait.ge @!p0 [sflag:s8], $0x0  }
0x24: {  	s3 =	sadd.s32 $0x88, s3;
	s6 =	simm.s32 @!p1 $0x1082;
	[sflag:s4] =	ssyncset.s32 $0xFFFFF086  }
0x25: {  	[simem:s6], [sflag:s4] =	dma.local [hbm:s3], $0xF7A  }
0x26: {  	[smem:$0x3F9B] =	sst s1;
	(tag) =	ssettag s2;
	_ =	strace s9  }
0x27: {  	s1 =	sld [smem:$0x3FAB]  }
0x28: {  	s2 =	sld [smem:$0x3FAC]  }
0x29: {  	s4 =	sld [smem:$0x3FAE]  }
0x2a: {  	p0 =	seq.s32 s5, $0x0;
	s5 =	sld [smem:$0x3FAF]  }
0x2b: {  	s6 =	sld [smem:$0x3FB0]  }
0x2c: {  	s7 =	sld [smem:$0x3FB1]  }
0x2d: {  	s3 =	simm.s32 $0x108;
	s8 =	sld [smem:$0x3FB2]  }
0x2e: {  	s3 =	simm.s32 @!p0 $0x1082;
	s9 =	sld [smem:$0x3FB3]  }
0x2f: {  	lr =	sadd.s32 s0, s3;
	s0 =	sld [smem:$0x3FAA]  }
0x30: {  	s3 =	sld [smem:$0x3FAD]  }
0x31: {  	[smem:$0x3FB6] =	sst s10  }
0x32: {  	s10 =	sld [smem:$0x3FB4];
	_ =	sdelay $0x3  }
0x33: {  	p0 =	seq.s32 s10, $0x1;
	s10 =	sld [smem:$0x3FB6];
	_ =	sdelay $0x3  }
0x34: {  	[smem:$0x3FB6] =	sst s10  }
0x35: {  	s10 =	sld [smem:$0x3FB5];
	_ =	sdelay $0x3  }
0x36: {  	p1 =	seq.s32 s10, $0x1;
	s10 =	sld [smem:$0x3FB6];
	_ =	sdelay $0x3  }
0x37: {  	[smem:$0x3FB6] =	sst s10  }
0x38: {  	s10 =	sld [smem:$0x3FB7]  }
0x39: {  	_ = 	snop;
	(pc) =	sbr.ind lr, $3  }
0x3a: {  	_ = 	snop  }
0x3b: {  	_ = 	snop  }
0x3c: {  	p2 =	seq.s32 s10, $0x1;
	s10 =	sld [smem:$0x3FB6]  }
0x3d: {  	_ =	shalt  }
0x3e: {  	_ =	shalt  }
0x3f: {  	_ =	shalt  }
0x40: {  	_ =	shalt  }
0x41: {  	_ =	shalt  }
0x42: {  	_ =	shalt  }
0x43: {  	_ =	shalt  }
0x44: {  	_ =	shalt  }
0x45: {  	_ =	shalt  }
0x46: {  	_ =	shalt  }
0x47: {  	_ =	shalt  }
0x48: {  	_ =	shalt  }
0x49: {  	_ =	shalt  }
0x4a: {  	_ =	shalt  }
0x4b: {  	_ =	shalt  }
0x4c: {  	_ =	shalt  }
0x4d: {  	_ =	shalt  }
0x4e: {  	_ =	shalt  }
0x4f: {  	_ =	shalt  }
0x50: {  	_ =	shalt  }
0x51: {  	_ =	shalt  }
0x52: {  	_ =	shalt  }
0x53: {  	_ =	shalt  }
0x54: {  	_ =	shalt  }
0x55: {  	_ =	shalt  }
0x56: {  	_ =	shalt  }
0x57: {  	_ =	shalt  }
0x58: {  	_ =	shalt  }
0x59: {  	_ =	shalt  }
0x5a: {  	_ =	shalt  }
0x5b: {  	_ =	shalt  }
0x5c: {  	_ =	shalt  }
0x5d: {  	_ =	shalt  }
0x5e: {  	_ =	shalt  }
0x5f: {  	_ =	shalt  }
0x60: {  	_ =	shalt  }
0x61: {  	_ =	shalt  }
0x62: {  	_ =	shalt  }
0x63: {  	_ =	shalt  }
0x64: {  	_ =	shalt  }
0x65: {  	_ =	shalt  }
0x66: {  	_ =	shalt  }
0x67: {  	_ =	shalt  }
0x68: {  	_ =	shalt  }
0x69: {  	_ =	shalt  }
0x6a: {  	_ =	shalt  }
0x6b: {  	_ =	shalt  }
0x6c: {  	_ =	shalt  }
0x6d: {  	_ =	shalt  }
0x6e: {  	_ =	shalt  }
0x6f: {  	_ =	shalt  }
0x70: {  	_ =	shalt  }
0x71: {  	_ =	shalt  }
0x72: {  	_ =	shalt  }
0x73: {  	_ =	shalt  }
0x74: {  	_ =	shalt  }
0x75: {  	_ =	shalt  }
0x76: {  	_ =	shalt  }
0x77: {  	_ =	shalt  }
0x78: {  	_ =	shalt  }
0x79: {  	_ =	shalt  }
0x7a: {  	_ =	shalt  }
0x7b: {  	_ =	shalt  }
0x7c: {  	_ =	shalt  }
0x7d: {  	_ =	shalt  }
0x7e: {  	_ =	shalt  }
0x7f: {  	_ =	shalt  }
0x80: {  	_ =	shalt  }
0x81: {  	_ =	shalt  }
0x82: {  	_ =	shalt  }
0x83: {  	_ =	shalt  }
0x84: {  	_ =	shalt  }
0x85: {  	_ =	shalt  }
0x86: {  	_ =	shalt  }
0x87: {  	_ =	shalt  }
.Lfunc_end0:
.L_simem_size_0:
called_computation_lowered:
.L_overlay_start_0:
0x88: {  	s2 =	sld [smem:$0x3FD9]  }
0x89: {  	s3 =	sld [smem:$0x3FFE];
	_ =	sdelay $0x1  }
0x8a: {  	s1 =	srdreg.scid  }
0x8b: {  	s0 =	sand.u32 $0x1, s1  }
0x8c: {  	s17 =	sshll.u32 s0, $0xA;
	s2 =	sadd.s32 s3, s2  }
0x8d: {  	s2 =	sadd.s32 s2, s17  }
0x8e: {  	[smem:$0x3FC2] =	sst s2  }
0x8f: {  	_ = 	snop  }
0x90: {  	s2 =	sld [smem:$0x3FD0];
	(tm) =	ssettm $0x1  }
0x91: {  	s18 =	sld [smem:$0x3FFB];
	_ =	sdelay $0x3  }
0x92: {  	_ =	strace s18  }
0x93: {  	s3 =	sld [smem:$0x3FFC];
	_ =	sdelay $0x3  }
0x94: {  	_ =	strace s3  }
0x95: {  	s3 =	sld [smem:$0x3FFD];
	_ =	sdelay $0x3  }
0x96: {  	_ =	strace s3  }
0x97: {  	_ =	strace $0x8FFFFFFF  }
0x98: {  	s19 =	sld [smem:$0x3FDB];
	_ =	sdelay $0x1  }
0x99: {  	s4 =	simm.s32 $_scs_section_size  }
0x9a: {  	s5 =	simm.s32 $_size__tile_overlayer_lowered;
	s6 =	simm.s32 $_tile_overlayer_lowered  }
0x9b: {  	s22 =	simm.s32 $0x1BFF;
	s21 =	sshll.u32 s6, $0x1;
	s3 =	sadd.s32 s4, s19  }
0x9c: {  	s7 =	simm.s32 $0x0;
	s20 =	sshll.u32 s5, $0x1;
	s5 =	sadd.s32 s21, s3  }
0x9d: {  	[timem:s7], [sflag:s22] =	dma.local [hbm:s5], s20  }
0x9e: {  	_ =	swait.ge [sflag:s22], s20  }
0x9f: {  	s4 =	ssub.s32 $0x0, s20;
	[sflag:s22] =	ssyncset.done $0x0  }
0xa0: {  	[sflag:s22] =	ssyncadd.s32 s4;
	_ =	sdelay $0x1  }
0xa1: {  	s23 =	simm.s32 $0x1B8B  }
0xa2: {  	_ =	swait.ge [sflag:s23], $0x1  }
0xa3: {  	[sflag:s23] =	ssyncset.done $0x0  }
0xa4: {  	s25 =	simm.s32 $0x1B8E;
	s24 =	sld [smem:$0x3FFE];
	[sflag:s23] =	ssyncadd.s32 $0xFFFFFFFF  }
0xa5: {  	s26 =	simm.s32 $execute0_lowered;
	[smem:$0x3FD2] =	sst s25  }
0xa6: {  	s5 =	sshll.u32 s26, $0x1;
	_ =	strace $0x80000046;
	[dreg:$0x1] =	wrdreg $0xFFFFFFFF  }
0xa7: {  	s28 =	simm.s32 $_size_execute0_lowered;
	s3 =	sadd.s32 s3, s5;
	[dreg:$0x0] =	wrdreg $0x0  }
0xa8: {  	s5 =	sshll.u32 s28, $0x1;
	[dreg:$0x2] =	wrdreg s3  }
0xa9: {  	[dreg:$0x3] =	wrdreg s5  }
0xaa: {  	[dreg:$0x4] =	wrdreg $0xC0  }
0xab: {  	_ =	task [dreg:s7], $0x5FFFF  }
0xac: {  	[dreg:$0x1] =	wrdreg $0xFFFFFFFF  }
0xad: {  	[dreg:$0x0] =	wrdreg $0x60  }
0xae: {  	[dreg:$0x2] =	wrdreg s2  }
0xaf: {  	[dreg:$0x3] =	wrdreg s24  }
0xb0: {  	[dreg:$0x4] =	wrdreg $0x68000  }
0xb1: {  	[dreg:$0x5] =	wrdreg $0x9  }
0xb2: {  	_ =	task.clear_ibuf [dreg:s7], $0x6FFFF;
	_ =	strace $0x90000046  }
0xb3: {  	s29 =	simm.s32 $0x9;
	_ =	strace $0x80000048  }
0xb4: {  	_ =	swait.ge [sflag:s29], $0x1  }
0xb5: {  	[sflag:s29] =	ssyncadd.s32 $0xFFFFFFFF  }
0xb6: {  	_ =	strace $0x90000048  }
0xb7: {  	_ =	sfence  }
0xb8: {  	s30 =	sld [smem:$0x0];
	_ =	sdelay $0x2  }
0xb9: {  	s31 =	sshll.u32 s1, $0xD;
	s1 =	sshrl.u32 s1, $0x2  }
0xba: {  	s3 =	sand.u32 $0x4000, s31;
	s1 =	sadd.s32 s1, s30  }
0xbb: {  	s0 =	sor.u32 s3, s0;
	s1 =	sshll.u32 s1, $0x11  }
0xbc: {  	s0 =	sor.u32 s1, s0  }
0xbd: {  	s0 =	sadd.s32 $0x8F2B, s0  }
0xbe: {  	[sflag:s0] =	ssyncadd.remote.s32 $0x1  }
0xbf: {  	_ =	sfence.sel $0xFFFF  }
0xc0: {  	[dreg:$0x0] =	wrdreg $0xFFFFFFFF;
	(pc) =	sbr.abs _section_cstart, $3  }
0xc1: {  	[dreg:$0x1] =	wrdreg $0xFFFFFFFF  }
0xc2: {  	_ =	task.clear_ibuf [dreg:s7], $0x2FFFF;
	_ =	strace $0x9FFFFFFF  }
0xc3: {  	(tm) =	ssettm $0x7FFFFFFF  }
tec
execute0_lowered:
.L_overlay_start_1:
0x0: {  	(tag) =	ssettag $0x1  }
0x1: {  	s9 =	rddreg [dreg:$0x0]  }
0x2: {  	s6 =	rddreg [dreg:$0x1]  }
0x3: {  	s0 =	srdreg.scid;
	s2 =	rddreg [dreg:$0x2]  }
0x4: {  	s1 =	rddreg [dreg:$0x3];
	s3 =	simm.s32 $0x0;
	s4 =	sand.u32 $0x1, s0  }
0x5: {  	s13 =	simm.s32 $0x1;
	s0 =	stileid.u32;
	s5 =	smul.u32 $0x140000, s4  }
0x6: {  	s14 =	simm.s32 $0x80;
	[smem:$0x7FF] =	sst s3;
	s7 =	smul.u32 $0x14000, s0  }
0x7: {  	s29 =	smul.u32 $0x50000, s0;
	_ =	strace $0x80000047;
	s30 =	ssub.s32 $0x2, s4  }
0x8: {  	s31 =	sshll.u32 s0, $0x1;
	s15 =	sshll.u32 s0, $0x6;
	s8 =	sshrl.u32 s30, $0x1  }
0x9: {  	s15 =	sor.u32 $0x1C01, s15;
	s5 =	sadd.s32 s7, s5;
	s11 =	ssub.s32 s30, s8  }
0xa: {  	s7 =	sshrl.u32 s29, $0x2;
	s5 =	sshrl.u32 s5, $0x3;
	s11 =	smax.u32 s11, $0x1  }
0xb: {  	s10 =	sadd.s32 s5, s6;
	s6 =	sor.u32 s4, s31;
	s4 =	sadd.s32 s7, s2  }
0xc: {  	s5 =	sadd.s32 $0x4000, s4;
	s12 =	smul.u32 $0x500, s6;
	s6 =	sadd.s32 $0x8000, s4  }
0xd: {  	s7 =	sadd.s32 $0xC000, s4;
	s8 =	sadd.s32 $0x10000, s4;
	s10 =	sadd.s32 $0x1C00, s10  }
0xe: {  	v0 =	vimm.f32 $0.0e+00;
	v1 =	vimm.f32 $1.000000000e+00;
	s16 =	sshrl.u32 s4, $0x3;
	s9 =	sadd.s32 s9, s12;
	s12 =	simm.s32 $0x2800  }
.LBB2_1:
0xf: {  	s17 =	simm.s32 $0x200;
	s18 =	simm.s32 $0x0  }
.LBB2_2:
0x10: {  	p0 =	sne.s32 s17, $0xFE00;
	[tilespmem:s18+$0x2800] =	vst v0;
	s18 =	smov.u32 s17;
	s17 =	sadd.s32 $0x200, s17  }
.Ltmp0:
0x11: {  	(pc) =	sbr.rel @p0 .LBB2_2-.Ltmp0, $2  }
0x12: {  	_ =	sdelay $0x2  }
0x13: {  	s18 =	sshra.s32 s18, $0x2  }
0x14: {  	[tilespmem:s18+$0x2800] =	vst v0  }
0x15: {  	[spmem:s4] =	stream.linear.scatter [tilespmem:s12], [sflag:$0x1], $0x4000, $0x38;
	[tilespmem:$0x9000] =	vst v63  }
0x16: {  	_ =	swait.ge [sflag:s13], $0x4000  }
0x17: {  	[sflag:s13] =	ssyncset.done $0x0  }
0x18: {  	[sflag:s13] =	ssyncadd.s32 $0xFFFFC000  }
0x19: {  	[spmem:s5] =	stream.linear.scatter [tilespmem:s12], [sflag:$0x1], $0x4000, $0x38;
	[tilespmem:$0x9000] =	vst v63  }
0x1a: {  	_ =	swait.ge [sflag:s13], $0x4000  }
0x1b: {  	[sflag:s13] =	ssyncset.done $0x0  }
0x1c: {  	[sflag:s13] =	ssyncadd.s32 $0xFFFFC000  }
0x1d: {  	[spmem:s6] =	stream.linear.scatter [tilespmem:s12], [sflag:$0x1], $0x4000, $0x38;
	[tilespmem:$0x9000] =	vst v63  }
0x1e: {  	_ =	swait.ge [sflag:s13], $0x4000  }
0x1f: {  	[sflag:s13] =	ssyncset.done $0x0  }
0x20: {  	[sflag:s13] =	ssyncadd.s32 $0xFFFFC000  }
0x21: {  	[spmem:s7] =	stream.linear.scatter [tilespmem:s12], [sflag:$0x1], $0x4000, $0x38;
	[tilespmem:$0x9000] =	vst v63  }
0x22: {  	_ =	swait.ge [sflag:s13], $0x4000  }
0x23: {  	[sflag:s13] =	ssyncset.done $0x0  }
0x24: {  	[sflag:s13] =	ssyncadd.s32 $0xFFFFC000  }
0x25: {  	[spmem:s8] =	stream.linear.scatter [tilespmem:s12], [sflag:$0x1], $0x4000, $0x38;
	[tilespmem:$0x9000] =	vst v63  }
0x26: {  	_ =	swait.ge [sflag:s13], $0x4000  }
0x27: {  	[sflag:s13] =	ssyncset.done $0x0  }
0x28: {  	s17 =	simm.s32 $0x200;
	s18 =	simm.s32 $0x0;
	[sflag:s13] =	ssyncadd.s32 $0xFFFFC000  }
.LBB2_4:
0x29: {  	p0 =	sne.s32 s17, $0xFE00;
	[tilespmem:s18+$0x2800] =	vst v1;
	s18 =	smov.u32 s17;
	s17 =	sadd.s32 $0x200, s17  }
.Ltmp1:
0x2a: {  	(pc) =	sbr.rel @p0 .LBB2_4-.Ltmp1, $2  }
0x2b: {  	_ =	sdelay $0x2  }
0x2c: {  	s18 =	sshra.s32 s18, $0x2  }
0x2d: {  	[tilespmem:s18+$0x2800] =	vst v1  }
0x2e: {  	s17 =	simm.s32 $0x0;
	[bflag:$0x0] =	sbarrier.arrive $0xFFFF  }
0x2f: {  	[tilespmem:s17], [sflag:$0x1] =	stream.linear.gather [hbm4b:s9+s17], $0x2800, $0x38;
	[tilespmem:$0x9000] =	vst v63  }
0x30: {  	_ =	swait.ge [sflag:s13], $0x2800  }
0x31: {  	[sflag:s13] =	ssyncset.done $0x0  }
0x32: {  	s31 =	simm.s32 $0x0;
	[sflag:s13] =	ssyncadd.s32 $0xFFFFD800  }
0x33: {  	[spmem:s2] =	stream.indirect.scatter.add.f32 [tilespmem:s12], [sflag:$0x1], $0x10, s31, s14, $0xb8;
	[tilespmem:$0x9000] =	vst v63  }
0x34: {  	_ =	swait.ge [sflag:s13], $0x800  }
0x35: {  	s17 =	simm.s32 $0x200;
	[sflag:s13] =	ssyncset.done $0x0  }
.LBB2_6:
0x36: {  	s18 =	sshra.s32 s17, $0x2;
	[sflag:s13] =	ssyncadd.s32 $0xFFFFF800;
	p0 =	sne.s32 s17, $0x9E00  }
0x37: {  	[spmem:s2] =	stream.indirect.scatter.add.f32 [tilespmem:s12], [sflag:$0x1], $0x10, s18, s14, $0xb8;
	[tilespmem:$0x9000] =	vst v63  }
.Ltmp2:
0x38: {  	_ = 	snop;
	(pc) =	sbr.rel @p0 .LBB2_6-.Ltmp2, $4  }
0x39: {  	_ = 	snop  }
0x3a: {  	s17 =	sadd.s32 $0x200, s17  }
0x3b: {  	_ =	swait.ge [sflag:s13], $0x800  }
0x3c: {  	[sflag:s13] =	ssyncset.done $0x0  }
0x3d: {  	s3 =	sadd.s32 $0x1, s3  }
0x3e: {  	[sflag:s13] =	ssyncadd.s32 $0xFFFFF800;
	p0 =	sne.s32 s3, s11  }
.Ltmp3:
0x3f: {  	[bflag:$0x0] =	sbarrier.arrive $0xFFFF;
	(pc) =	sbr.rel @p0 .LBB2_1-.Ltmp3, $4  }
0x40: {  	[hbm:s10], [sflag:s15] =	dma.local [spmem:s16], $0x2800  }
0x41: {  	_ =	swait.ge [sflag:s13], $0x2800  }
0x42: {  	[sflag:s13] =	ssyncset.done $0x0  }
0x43: {  	[sflag:s13] =	ssyncadd.s32 $0xFFFFD800  }
0x44: {  	_ =	sfence.sel $0x180000  }
0x45: {  	[bflag:$0x0] =	sbarrier.arrive $0xFFFF  }
0x46: {  	p0 =	sne.s32 s0, $0x0;
	_ =	strace $0x90000047  }
0x47: {  	s0 =	sadd.s32 @!p0 $0x100000, s1;
	[bflag:$0x2] =	sbarrier.arrive $0xFFFF  }
0x48: {  	[sflag:s0] =	ssyncadd.tile.s32 @!p0 $0x1;
	_ =	shalt  }
.Lfunc_end2:
_tile_overlayer_lowered:
.L_overlay_start_2:
0x49: {  	(tag) =	ssettag $0x2  }
0x4a: {  	s0 =	rddreg [dreg:$0x0];
	s2 =	stileid.u32  }
0x4b: {  	s1 =	rddreg [dreg:$0x1];
	p0 =	sne.s32 s2, $0x0  }
0x4c: {  	s3 =	rddreg [dreg:$0x2];
	[bflag:$0x3] =	sbarrier.arrive $0xFFFF;
	s2 =	simm.s32 @!p0 $0x1C01  }
0x4d: {  	[timem:s3], [sflag:s2] =	dma.local @!p0 [hbm:s0], s1  }
0x4e: {  	s0 =	simm.s32 @!p0 $0x1  }
0x4f: {  	_ =	swait.ge @!p0 [sflag:s0], s1  }
0x50: {  	s1 =	ssub.s32 @!p0 $0x0, s1;
	[sflag:s0] =	ssyncset.done @!p0 $0x0  }
0x51: {  	[sflag:s0] =	ssyncadd.s32 @!p0 s1  }
0x52: {  	[bflag:$0x3] =	sbarrier.arrive $0xFFFF  }
0x53: {  	_ =	shalt  }

// kernel: kernel.9.cloned.1.call-start
scs
__scs_entry_jumppad:
0x0: {  	(pc) =	sbr.rel $0x88, $3  }
0x1: {  	(tag) =	ssettag $0x0;
	lr =	simm.s32 $0x1  }
0x2: {  	[smem:$0x3F9B] =	sst lr;
	_ =	strace $0xD0000000  }
0x3: {  	_ = 	snop  }
0x4: {  	_ = 	snop  }
0x5: {  	_ = 	snop  }
0x6: {  	_ = 	snop  }
0x7: {  	_ = 	snop  }
__scs_overlays_trampoline_lowered:
0x8: {  	[smem:$0x3FAA] =	sst s0  }
0x9: {  	[smem:$0x3FAB] =	sst s1  }
0xa: {  	[smem:$0x3FAC] =	sst s2  }
0xb: {  	[smem:$0x3FAD] =	sst s3  }
0xc: {  	[smem:$0x3FAE] =	sst s4  }
0xd: {  	[smem:$0x3FAF] =	sst s5  }
0xe: {  	[smem:$0x3FB0] =	sst s6  }
0xf: {  	[smem:$0x3FB1] =	sst s7  }
0x10: {  	[smem:$0x3FB2] =	sst s8  }
0x11: {  	[smem:$0x3FB3] =	sst s9;
	s0 =	simm.s32 @!p0 $0x0  }
0x12: {  	s1 =	sld [smem:$0x3F99];
	s0 =	simm.s32 @p0 $0x1  }
0x13: {  	[smem:$0x3FB4] =	sst s0;
	s0 =	simm.s32 @!p1 $0x0  }
0x14: {  	s2 =	sld [smem:$0x3F98];
	s0 =	simm.s32 @p1 $0x1  }
0x15: {  	[smem:$0x3FB5] =	sst s0;
	s0 =	simm.s32 @!p2 $0x0  }
0x16: {  	s3 =	sld [smem:$0x3FDB];
	s0 =	simm.s32 @p2 $0x1  }
0x17: {  	s4 =	simm.s32 $0x1BF5;
	[smem:$0x3FB7] =	sst s0  }
0x18: {  	s0 =	sld [smem:$0x3F9A];
	_ =	swait.ge [sflag:s4], $0x0  }
0x19: {  	s7 =	sld [smem:$0x3F9B]  }
0x1a: {  	s8 =	sadd.s32 $0xFFFFE003, lr  }
0x1b: {  	s9 =	sadd.s32 $0xFFFFFEF7, lr;
	s5 =	simm.s32 $0xFFFFFFFF;
	p2 =	slt.u32 s8, $0xFFFFF086  }
0x1c: {  	p1 =	slt.u32 s9, $0xF7A;
	s5 =	simm.s32 @!p2 $0x0  }
0x1d: {  	s5 =	simm.s32 @p1 $0x1;
	p0 =	seq.s32 s7, s2  }
0x1e: {  	s7 =	smul.u32 @!p0 $0xF7A, s2;
	p2 =	seq.s32 @!p0 s5, $0x0  }
0x1f: {  	s9 =	smul.u32 $0xF7A, s1;
	s8 =	simm.s32 @!p0 $0x1BF5;
	p2 =	por !p2, p0  }
0x20: {  	[sflag:s8] =	ssyncset.s32 @!p0 $0xFFFFF086;
	s6 =	sadd.s32 @!p0 s3, s7;
	s7 =	simm.s32 @!p0 $0x108  }
0x21: {  	s3 =	sadd.s32 s3, s9;
	s6 =	sadd.s32 @!p0 $0x88, s6;
	s7 =	simm.s32 @p2 $0x1082  }
0x22: {  	[simem:s7], [sflag:s8] =	dma.local @!p0 [hbm:s6], $0xF7A  }
0x23: {  	s9 =	sor.u32 $0xD0000000, s2;
	s6 =	simm.s32 $0x108;
	_ =	swait.ge @!p0 [sflag:s8], $0x0  }
0x24: {  	s3 =	sadd.s32 $0x88, s3;
	s6 =	simm.s32 @!p1 $0x1082;
	[sflag:s4] =	ssyncset.s32 $0xFFFFF086  }
0x25: {  	[simem:s6], [sflag:s4] =	dma.local [hbm:s3], $0xF7A  }
0x26: {  	[smem:$0x3F9B] =	sst s1;
	(tag) =	ssettag s2;
	_ =	strace s9  }
0x27: {  	s1 =	sld [smem:$0x3FAB]  }
0x28: {  	s2 =	sld [smem:$0x3FAC]  }
0x29: {  	s4 =	sld [smem:$0x3FAE]  }
0x2a: {  	p0 =	seq.s32 s5, $0x0;
	s5 =	sld [smem:$0x3FAF]  }
0x2b: {  	s6 =	sld [smem:$0x3FB0]  }
0x2c: {  	s7 =	sld [smem:$0x3FB1]  }
0x2d: {  	s3 =	simm.s32 $0x108;
	s8 =	sld [smem:$0x3FB2]  }
0x2e: {  	s3 =	simm.s32 @!p0 $0x1082;
	s9 =	sld [smem:$0x3FB3]  }
0x2f: {  	lr =	sadd.s32 s0, s3;
	s0 =	sld [smem:$0x3FAA]  }
0x30: {  	s3 =	sld [smem:$0x3FAD]  }
0x31: {  	[smem:$0x3FB6] =	sst s10  }
0x32: {  	s10 =	sld [smem:$0x3FB4];
	_ =	sdelay $0x3  }
0x33: {  	p0 =	seq.s32 s10, $0x1;
	s10 =	sld [smem:$0x3FB6];
	_ =	sdelay $0x3  }
0x34: {  	[smem:$0x3FB6] =	sst s10  }
0x35: {  	s10 =	sld [smem:$0x3FB5];
	_ =	sdelay $0x3  }
0x36: {  	p1 =	seq.s32 s10, $0x1;
	s10 =	sld [smem:$0x3FB6];
	_ =	sdelay $0x3  }
0x37: {  	[smem:$0x3FB6] =	sst s10  }
0x38: {  	s10 =	sld [smem:$0x3FB7]  }
0x39: {  	_ = 	snop;
	(pc) =	sbr.ind lr, $3  }
0x3a: {  	_ = 	snop  }
0x3b: {  	_ = 	snop  }
0x3c: {  	p2 =	seq.s32 s10, $0x1;
	s10 =	sld [smem:$0x3FB6]  }
0x3d: {  	_ =	shalt  }
0x3e: {  	_ =	shalt  }
0x3f: {  	_ =	shalt  }
0x40: {  	_ =	shalt  }
0x41: {  	_ =	shalt  }
0x42: {  	_ =	shalt  }
0x43: {  	_ =	shalt  }
0x44: {  	_ =	shalt  }
0x45: {  	_ =	shalt  }
0x46: {  	_ =	shalt  }
0x47: {  	_ =	shalt  }
0x48: {  	_ =	shalt  }
0x49: {  	_ =	shalt  }
0x4a: {  	_ =	shalt  }
0x4b: {  	_ =	shalt  }
0x4c: {  	_ =	shalt  }
0x4d: {  	_ =	shalt  }
0x4e: {  	_ =	shalt  }
0x4f: {  	_ =	shalt  }
0x50: {  	_ =	shalt  }
0x51: {  	_ =	shalt  }
0x52: {  	_ =	shalt  }
0x53: {  	_ =	shalt  }
0x54: {  	_ =	shalt  }
0x55: {  	_ =	shalt  }
0x56: {  	_ =	shalt  }
0x57: {  	_ =	shalt  }
0x58: {  	_ =	shalt  }
0x59: {  	_ =	shalt  }
0x5a: {  	_ =	shalt  }
0x5b: {  	_ =	shalt  }
0x5c: {  	_ =	shalt  }
0x5d: {  	_ =	shalt  }
0x5e: {  	_ =	shalt  }
0x5f: {  	_ =	shalt  }
0x60: {  	_ =	shalt  }
0x61: {  	_ =	shalt  }
0x62: {  	_ =	shalt  }
0x63: {  	_ =	shalt  }
0x64: {  	_ =	shalt  }
0x65: {  	_ =	shalt  }
0x66: {  	_ =	shalt  }
0x67: {  	_ =	shalt  }
0x68: {  	_ =	shalt  }
0x69: {  	_ =	shalt  }
0x6a: {  	_ =	shalt  }
0x6b: {  	_ =	shalt  }
0x6c: {  	_ =	shalt  }
0x6d: {  	_ =	shalt  }
0x6e: {  	_ =	shalt  }
0x6f: {  	_ =	shalt  }
0x70: {  	_ =	shalt  }
0x71: {  	_ =	shalt  }
0x72: {  	_ =	shalt  }
0x73: {  	_ =	shalt  }
0x74: {  	_ =	shalt  }
0x75: {  	_ =	shalt  }
0x76: {  	_ =	shalt  }
0x77: {  	_ =	shalt  }
0x78: {  	_ =	shalt  }
0x79: {  	_ =	shalt  }
0x7a: {  	_ =	shalt  }
0x7b: {  	_ =	shalt  }
0x7c: {  	_ =	shalt  }
0x7d: {  	_ =	shalt  }
0x7e: {  	_ =	shalt  }
0x7f: {  	_ =	shalt  }
0x80: {  	_ =	shalt  }
0x81: {  	_ =	shalt  }
0x82: {  	_ =	shalt  }
0x83: {  	_ =	shalt  }
0x84: {  	_ =	shalt  }
0x85: {  	_ =	shalt  }
0x86: {  	_ =	shalt  }
0x87: {  	_ =	shalt  }
.Lfunc_end0:
.L_simem_size_0:
called_computation.1_lowered:
.L_overlay_start_0:
0x88: {  	s2 =	sld [smem:$0x3FD9]  }
0x89: {  	s3 =	sld [smem:$0x3FFE];
	_ =	sdelay $0x1  }
0x8a: {  	s1 =	srdreg.scid  }
0x8b: {  	s0 =	sand.u32 $0x1, s1  }
0x8c: {  	s17 =	sshll.u32 s0, $0xA;
	s2 =	sadd.s32 s3, s2  }
0x8d: {  	s2 =	sadd.s32 s2, s17  }
0x8e: {  	[smem:$0x3FC2] =	sst s2  }
0x8f: {  	_ = 	snop  }
0x90: {  	s2 =	sld [smem:$0x3FD0];
	(tm) =	ssettm $0x1  }
0x91: {  	s18 =	sld [smem:$0x3FFB];
	_ =	sdelay $0x3  }
0x92: {  	_ =	strace s18  }
0x93: {  	s3 =	sld [smem:$0x3FFC];
	_ =	sdelay $0x3  }
0x94: {  	_ =	strace s3  }
0x95: {  	s3 =	sld [smem:$0x3FFD];
	_ =	sdelay $0x3  }
0x96: {  	_ =	strace s3  }
0x97: {  	_ =	strace $0x8FFFFFFF  }
0x98: {  	s19 =	sld [smem:$0x3FDB];
	_ =	sdelay $0x1  }
0x99: {  	s4 =	simm.s32 $_scs_section_size  }
0x9a: {  	s5 =	simm.s32 $_size__tile_overlayer_lowered;
	s6 =	simm.s32 $_tile_overlayer_lowered  }
0x9b: {  	s22 =	simm.s32 $0x1BFF;
	s21 =	sshll.u32 s6, $0x1;
	s3 =	sadd.s32 s4, s19  }
0x9c: {  	s7 =	simm.s32 $0x0;
	s20 =	sshll.u32 s5, $0x1;
	s5 =	sadd.s32 s21, s3  }
0x9d: {  	[timem:s7], [sflag:s22] =	dma.local [hbm:s5], s20  }
0x9e: {  	_ =	swait.ge [sflag:s22], s20  }
0x9f: {  	s4 =	ssub.s32 $0x0, s20;
	[sflag:s22] =	ssyncset.done $0x0  }
0xa0: {  	[sflag:s22] =	ssyncadd.s32 s4;
	_ =	sdelay $0x1  }
0xa1: {  	s23 =	simm.s32 $0x1B8B  }
0xa2: {  	_ =	swait.ge [sflag:s23], $0x1  }
0xa3: {  	[sflag:s23] =	ssyncset.done $0x0  }
0xa4: {  	s25 =	simm.s32 $0x1B8E;
	s24 =	sld [smem:$0x3FFE];
	[sflag:s23] =	ssyncadd.s32 $0xFFFFFFFF  }
0xa5: {  	s26 =	simm.s32 $execute0_lowered;
	[smem:$0x3FD2] =	sst s25  }
0xa6: {  	s5 =	sshll.u32 s26, $0x1;
	_ =	strace $0x80000049;
	[dreg:$0x1] =	wrdreg $0xFFFFFFFF  }
0xa7: {  	s28 =	simm.s32 $_size_execute0_lowered;
	s3 =	sadd.s32 s3, s5;
	[dreg:$0x0] =	wrdreg $0x0  }
0xa8: {  	s5 =	sshll.u32 s28, $0x1;
	[dreg:$0x2] =	wrdreg s3  }
0xa9: {  	[dreg:$0x3] =	wrdreg s5  }
0xaa: {  	[dreg:$0x4] =	wrdreg $0xC0  }
0xab: {  	_ =	task [dreg:s7], $0x5FFFF  }
0xac: {  	[dreg:$0x1] =	wrdreg $0xFFFFFFFF  }
0xad: {  	[dreg:$0x0] =	wrdreg $0x60  }
0xae: {  	[dreg:$0x2] =	wrdreg s24  }
0xaf: {  	[dreg:$0x3] =	wrdreg s2  }
0xb0: {  	[dreg:$0x4] =	wrdreg $0x90000  }
0xb1: {  	[dreg:$0x5] =	wrdreg $0x9  }
0xb2: {  	_ =	task.clear_ibuf [dreg:s7], $0x6FFFF;
	_ =	strace $0x90000049  }
0xb3: {  	s29 =	simm.s32 $0x9;
	_ =	strace $0x8000004B  }
0xb4: {  	_ =	swait.ge [sflag:s29], $0x1  }
0xb5: {  	[sflag:s29] =	ssyncadd.s32 $0xFFFFFFFF  }
0xb6: {  	_ =	strace $0x9000004B  }
0xb7: {  	_ =	sfence  }
0xb8: {  	s30 =	sld [smem:$0x0];
	_ =	sdelay $0x2  }
0xb9: {  	s31 =	sshll.u32 s1, $0xD;
	s1 =	sshrl.u32 s1, $0x2  }
0xba: {  	s3 =	sand.u32 $0x4000, s31;
	s1 =	sadd.s32 s1, s30  }
0xbb: {  	s0 =	sor.u32 s3, s0;
	s1 =	sshll.u32 s1, $0x11  }
0xbc: {  	s0 =	sor.u32 s1, s0  }
0xbd: {  	s0 =	sadd.s32 $0x8F2B, s0  }
0xbe: {  	[sflag:s0] =	ssyncadd.remote.s32 $0x1  }
0xbf: {  	_ =	sfence.sel $0xFFFF  }
0xc0: {  	[dreg:$0x0] =	wrdreg $0xFFFFFFFF;
	(pc) =	sbr.abs _section_cstart, $3  }
0xc1: {  	[dreg:$0x1] =	wrdreg $0xFFFFFFFF  }
0xc2: {  	_ =	task.clear_ibuf [dreg:s7], $0x2FFFF;
	_ =	strace $0x9FFFFFFF  }
0xc3: {  	(tm) =	ssettm $0x7FFFFFFF  }
tec
execute0_lowered:
.L_overlay_start_1:
0x0: {  	(tag) =	ssettag $0x1  }
0x1: {  	s5 =	rddreg [dreg:$0x0]  }
0x2: {  	s1 =	srdreg.scid;
	s10 =	rddreg [dreg:$0x1]  }
0x3: {  	s0 =	stileid.u32;
	s2 =	rddreg [dreg:$0x2]  }
0x4: {  	s3 =	simm.s32 $0x0;
	s15 =	simm.s32 $0x1;
	s16 =	simm.s32 $0x2800  }
0x5: {  	s17 =	simm.s32 $0x80;
	s6 =	sand.u32 $0x1, s1;
	s30 =	sshll.u32 s0, $0x1  }
0x6: {  	[smem:$0x7FF] =	sst s3;
	s8 =	smul.u32 $0x14000, s0;
	s4 =	sadd.s32 $0x1C00, s5  }
0x7: {  	s9 =	smul.u32 $0x50000, s0;
	s18 =	sshll.u32 s0, $0x6;
	s1 =	sor.u32 s6, s30  }
0x8: {  	s7 =	smul.u32 $0x140000, s6;
	s6 =	ssub.s32 $0x2, s6;
	s18 =	sor.u32 $0x1C01, s18  }
0x9: {  	s11 =	smul.u32 $0x500, s1;
	s1 =	rddreg [dreg:$0x3];
	_ =	strace $0x8000004A  }
0xa: {  	s31 =	sshrl.u32 s6, $0x1;
	s9 =	sshrl.u32 s9, $0x2;
	s7 =	sadd.s32 s8, s7  }
0xb: {  	s14 =	ssub.s32 s6, s31;
	s12 =	sadd.s32 s11, s5;
	s7 =	sshrl.u32 s7, $0x3  }
0xc: {  	s10 =	sadd.s32 s10, s11;
	s13 =	sadd.s32 s7, s5;
	s5 =	sadd.s32 s9, s2  }
0xd: {  	s11 =	sadd.s32 $0x51C00, s12;
	s6 =	sadd.s32 $0x4000, s5;
	s7 =	sadd.s32 $0x8000, s5  }
0xe: {  	s8 =	sadd.s32 $0xC000, s5;
	s9 =	sadd.s32 $0x10000, s5;
	s12 =	sadd.s32 $0x5BC00, s13  }
0xf: {  	v0 =	vimm.f32 $0.0e+00;
	s13 =	smax.u32 s14, $0x1;
	s14 =	simm.s32 $0x5000;
	s19 =	sshrl.u32 s5, $0x3  }
.LBB2_1:
0x10: {  	s20 =	simm.s32 $0x0;
	s21 =	simm.s32 $0x200  }
.LBB2_2:
0x11: {  	p0 =	sne.s32 s21, $0xFE00;
	[tilespmem:s20+$0x5070] =	vst v0  }
0x12: {  	[tilespmem:s20+$0x5000] =	vst v0  }
0x13: {  	[tilespmem:s20+$0x5010] =	vst v0  }
.Ltmp0:
0x14: {  	[tilespmem:s20+$0x5020] =	vst v0;
	(pc) =	sbr.rel @p0 .LBB2_2-.Ltmp0, $4  }
0x15: {  	[tilespmem:s20+$0x5030] =	vst v0  }
0x16: {  	[tilespmem:s20+$0x5040] =	vst v0  }
0x17: {  	[tilespmem:s20+$0x5050] =	vst v0  }
0x18: {  	[tilespmem:s20+$0x5060] =	vst v0;
	s20 =	sshra.s32 s21, $0x2;
	s21 =	sadd.s32 $0x200, s21  }
0x19: {  	[tilespmem:s20+$0x5070] =	vst v0  }
0x1a: {  	[tilespmem:s20+$0x5000] =	vst v0  }
0x1b: {  	[tilespmem:s20+$0x5010] =	vst v0  }
0x1c: {  	[tilespmem:s20+$0x5020] =	vst v0  }
0x1d: {  	[tilespmem:s20+$0x5030] =	vst v0  }
0x1e: {  	[tilespmem:s20+$0x5040] =	vst v0  }
0x1f: {  	[tilespmem:s20+$0x5050] =	vst v0  }
0x20: {  	[tilespmem:s20+$0x5060] =	vst v0  }
0x21: {  	[spmem:s5] =	stream.linear.scatter [tilespmem:s14], [sflag:$0x1], $0x4000, $0x38;
	[tilespmem:$0x1D000] =	vst v63  }
0x22: {  	_ =	swait.ge [sflag:s15], $0x4000  }
0x23: {  	[sflag:s15] =	ssyncset.done $0x0  }
0x24: {  	[sflag:s15] =	ssyncadd.s32 $0xFFFFC000  }
0x25: {  	[spmem:s6] =	stream.linear.scatter [tilespmem:s14], [sflag:$0x1], $0x4000, $0x38;
	[tilespmem:$0x1D000] =	vst v63  }
0x26: {  	_ =	swait.ge [sflag:s15], $0x4000  }
0x27: {  	[sflag:s15] =	ssyncset.done $0x0  }
0x28: {  	[sflag:s15] =	ssyncadd.s32 $0xFFFFC000  }
0x29: {  	[spmem:s7] =	stream.linear.scatter [tilespmem:s14], [sflag:$0x1], $0x4000, $0x38;
	[tilespmem:$0x1D000] =	vst v63  }
0x2a: {  	_ =	swait.ge [sflag:s15], $0x4000  }
0x2b: {  	[sflag:s15] =	ssyncset.done $0x0  }
0x2c: {  	[sflag:s15] =	ssyncadd.s32 $0xFFFFC000  }
0x2d: {  	[spmem:s8] =	stream.linear.scatter [tilespmem:s14], [sflag:$0x1], $0x4000, $0x38;
	[tilespmem:$0x1D000] =	vst v63  }
0x2e: {  	_ =	swait.ge [sflag:s15], $0x4000  }
0x2f: {  	[sflag:s15] =	ssyncset.done $0x0  }
0x30: {  	[sflag:s15] =	ssyncadd.s32 $0xFFFFC000  }
0x31: {  	[spmem:s9] =	stream.linear.scatter [tilespmem:s14], [sflag:$0x1], $0x4000, $0x38;
	[tilespmem:$0x1D000] =	vst v63  }
0x32: {  	_ =	swait.ge [sflag:s15], $0x4000  }
0x33: {  	[sflag:s15] =	ssyncset.done $0x0  }
0x34: {  	[sflag:s15] =	ssyncadd.s32 $0xFFFFC000  }
0x35: {  	s29 =	simm.s32 $0x0;
	[bflag:$0x0] =	sbarrier.arrive $0xFFFF  }
0x36: {  	[tilespmem:s29], [sflag:$0x1] =	stream.linear.gather [hbm4b:s10+s29], $0x2800, $0x38;
	[tilespmem:$0x1D000] =	vst v63  }
0x37: {  	_ =	swait.ge [sflag:s15], $0x2800  }
0x38: {  	[sflag:s15] =	ssyncset.done $0x0  }
0x39: {  	[sflag:s15] =	ssyncadd.s32 $0xFFFFD800  }
0x3a: {  	[tilespmem:s16], [sflag:$0x1] =	stream.linear.gather [hbm4b:s11+s29], $0x2800, $0x38;
	[tilespmem:$0x1D000] =	vst v63  }
0x3b: {  	_ =	swait.ge [sflag:s15], $0x2800  }
0x3c: {  	[sflag:s15] =	ssyncset.done $0x0  }
0x3d: {  	s30 =	simm.s32 $0x0;
	[sflag:s15] =	ssyncadd.s32 $0xFFFFD800  }
0x3e: {  	[tilespmem:s14], [sflag:$0x1] =	stream.indirect.gather [hbm4b:s4+s17], $0x80, s30, s17, $0xb8;
	[tilespmem:$0x1D000] =	vst v63  }
0x3f: {  	_ =	swait.ge [sflag:s15], $0x4000  }
0x40: {  	[sflag:s15] =	ssyncset.done $0x0  }
0x41: {  	s31 =	simm.s32 $0x2800;
	[sflag:s15] =	ssyncadd.s32 $0xFFFFC000  }
0x42: {  	[spmem:s2] =	stream.indirect.scatter.add.f32 [tilespmem:s14], [sflag:$0x1], $0x80, s31, s17, $0xb8;
	[tilespmem:$0x1D000] =	vst v63  }
0x43: {  	_ =	swait.ge [sflag:s15], $0x4000  }
0x44: {  	s20 =	simm.s32 $0x200;
	s21 =	simm.s32 $0x400;
	[sflag:s15] =	ssyncset.done $0x0  }
.LBB2_4:
0x45: {  	s22 =	sshra.s32 s20, $0x2  }
0x46: {  	[sflag:s15] =	ssyncadd.s32 $0xFFFFC000;
	s20 =	smov.u32 s21;
	s23 =	sadd.s32 $0x200, s21  }
0x47: {  	[tilespmem:s14], [sflag:$0x1] =	stream.indirect.gather [hbm4b:s4+s17], $0x80, s22, s17, $0xb8;
	[tilespmem:$0x1D000] =	vst v63  }
0x48: {  	p0 =	sne.s32 s21, $0x9E00;
	_ =	swait.ge [sflag:s15], $0x4000  }
.Ltmp1:
0x49: {  	[sflag:s15] =	ssyncset.done $0x0;
	(pc) =	sbr.rel @p0 .LBB2_4-.Ltmp1, $4  }
0x4a: {  	s21 =	sadd.s32 $0x2800, s22;
	[sflag:s15] =	ssyncadd.s32 $0xFFFFC000  }
0x4b: {  	[spmem:s2] =	stream.indirect.scatter.add.f32 [tilespmem:s14], [sflag:$0x1], $0x80, s21, s17, $0xb8;
	[tilespmem:$0x1D000] =	vst v63  }
0x4c: {  	_ =	swait.ge [sflag:s15], $0x4000  }
0x4d: {  	s21 =	smov.u32 s23;
	[sflag:s15] =	ssyncset.done $0x0  }
0x4e: {  	s20 =	sshra.s32 s20, $0x2;
	[sflag:s15] =	ssyncadd.s32 $0xFFFFC000  }
0x4f: {  	[tilespmem:s14], [sflag:$0x1] =	stream.indirect.gather [hbm4b:s4+s17], $0x80, s20, s17, $0xb8;
	[tilespmem:$0x1D000] =	vst v63  }
0x50: {  	_ =	swait.ge [sflag:s15], $0x4000  }
0x51: {  	[sflag:s15] =	ssyncset.done $0x0  }
0x52: {  	s20 =	sadd.s32 $0x2800, s20;
	[sflag:s15] =	ssyncadd.s32 $0xFFFFC000  }
0x53: {  	[spmem:s2] =	stream.indirect.scatter.add.f32 [tilespmem:s14], [sflag:$0x1], $0x80, s20, s17, $0xb8;
	[tilespmem:$0x1D000] =	vst v63  }
0x54: {  	_ =	swait.ge [sflag:s15], $0x4000  }
0x55: {  	s3 =	sadd.s32 $0x1, s3;
	[sflag:s15] =	ssyncset.done $0x0  }
0x56: {  	p0 =	sne.s32 s3, s13;
	[sflag:s15] =	ssyncadd.s32 $0xFFFFC000  }
.Ltmp2:
0x57: {  	[bflag:$0x0] =	sbarrier.arrive $0xFFFF;
	(pc) =	sbr.rel @p0 .LBB2_1-.Ltmp2, $4  }
0x58: {  	[hbm:s12], [sflag:s18] =	dma.local [spmem:s19], $0x2800  }
0x59: {  	_ =	swait.ge [sflag:s15], $0x2800  }
0x5a: {  	[sflag:s15] =	ssyncset.done $0x0  }
0x5b: {  	[sflag:s15] =	ssyncadd.s32 $0xFFFFD800  }
0x5c: {  	_ =	sfence.sel $0x180000  }
0x5d: {  	[bflag:$0x0] =	sbarrier.arrive $0xFFFF  }
0x5e: {  	p0 =	sne.s32 s0, $0x0;
	_ =	strace $0x9000004A  }
0x5f: {  	s0 =	sadd.s32 @!p0 $0x100000, s1;
	[bflag:$0x2] =	sbarrier.arrive $0xFFFF  }
0x60: {  	[sflag:s0] =	ssyncadd.tile.s32 @!p0 $0x1;
	_ =	shalt  }
.Lfunc_end2:
_tile_overlayer_lowered:
.L_overlay_start_2:
0x61: {  	(tag) =	ssettag $0x2  }
0x62: {  	s0 =	rddreg [dreg:$0x0];
	s2 =	stileid.u32  }
0x63: {  	s1 =	rddreg [dreg:$0x1];
	p0 =	sne.s32 s2, $0x0  }
0x64: {  	s3 =	rddreg [dreg:$0x2];
	[bflag:$0x3] =	sbarrier.arrive $0xFFFF;
	s2 =	simm.s32 @!p0 $0x1C01  }
0x65: {  	[timem:s3], [sflag:s2] =	dma.local @!p0 [hbm:s0], s1  }
0x66: {  	s0 =	simm.s32 @!p0 $0x1  }
0x67: {  	_ =	swait.ge @!p0 [sflag:s0], s1  }
0x68: {  	s1 =	ssub.s32 @!p0 $0x0, s1;
	[sflag:s0] =	ssyncset.done @!p0 $0x0  }
0x69: {  	[sflag:s0] =	ssyncadd.s32 @!p0 s1  }
0x6a: {  	[bflag:$0x3] =	sbarrier.arrive $0xFFFF  }
0x6b: {  	_ =	shalt  }

</sc_bundles>
